<compile_context>
chip_gen: v7x
topology: tpu7x:2x2x1
jax: 0.10.2.dev20260603
libtpu: 0.0.44.dev20260713+nightly
codegen_flags: <defaults>
</compile_context>

<pallas_src>
import functools

import jax
import jax.numpy as jnp
from jax import lax
from jax.experimental import pallas as pl
from jax.experimental.pallas import tpu as pltpu
from jax.experimental.pallas import tpu_sc as plsc

N_NODES = 10000
N_EDGES = 320000
D = 128

NC = 2
NS = 16
NW = NC * NS
L = 16

N_PAD = 10240
CHUNK = 128
EROWS = 2560
E_PAD = EROWS * CHUNK
ROWS_PER_W = EROWS // NW
NODES_PER_TILE = N_PAD // NS

_mesh = plsc.VectorSubcoreMesh(
    core_axis_name="c", subcore_axis_name="s", num_cores=NC, num_subcores=NS)


HROWS = 128
ROWS_PER_TILE_K1 = EROWS // NS


def _deg_body(dst_hbm, idx_hbm, z128_hbm, deg_hbm, dst_v, hist_v, idx_v, deg_sh):
    c = lax.axis_index("c")
    s = lax.axis_index("s")

    @pl.when(c == 0)
    def _():
        pltpu.sync_copy(
            dst_hbm.at[pl.ds(s * ROWS_PER_TILE_K1, ROWS_PER_TILE_K1)], dst_v)
        pltpu.sync_copy(z128_hbm, hist_v)
        pltpu.sync_copy(idx_hbm, idx_v)
        pltpu.sync_copy(z128_hbm.at[pl.ds(0, HROWS // NS)],
                        deg_sh.at[pl.ds(s * (HROWS // NS), HROWS // NS)])

        ones_vec = jnp.ones((L,), jnp.float32)

        def hist_body(i, carry):
            r = i // (CHUNK // L)
            k = i % (CHUNK // L)
            v = dst_v[r, pl.ds(k * L, L)]
            plsc.addupdate_scatter(hist_v, [v >> 7, v & 127], ones_vec)
            return carry
        lax.fori_loop(0, ROWS_PER_TILE_K1 * (CHUNK // L), hist_body, 0)
        plsc.subcore_barrier()

        pltpu.sync_copy(hist_v, deg_sh.at[idx_v.at[0]], add=True)
        plsc.subcore_barrier()

        pltpu.sync_copy(deg_sh.at[pl.ds(s * (HROWS // NS), HROWS // NS)],
                        deg_hbm.at[pl.ds(s * (HROWS // NS), HROWS // NS)])


def _make_deg_kernel(interpret=False):
    return pl.kernel(
        _deg_body,
        out_type=jax.ShapeDtypeStruct((HROWS, CHUNK), jnp.float32),
        mesh=_mesh,
        scratch_types=[
            pltpu.VMEM((ROWS_PER_TILE_K1, CHUNK), jnp.int32),
            pltpu.VMEM((HROWS, CHUNK), jnp.float32),
            pltpu.VMEM((1, CHUNK), jnp.int32),
            pltpu.VMEM_SHARED((HROWS, CHUNK), jnp.float32),
        ],
        compiler_params=pltpu.CompilerParams(needs_layout_passes=False),
        interpret=interpret,
    )


_deg_kernel = _make_deg_kernel()


ROWS_PER_TILE = EROWS // NS


def _edge_body_for(core, rows_per_tile, row_base):
    def body(g_hbm, src_hbm, dst_hbm, z128_hbm, acc_hbm,
             src_c, dst_c, rows2, acc_sh, gsem2, ssem):
        c = lax.axis_index("c")
        s = lax.axis_index("s")

        @pl.when(c == core)
        def _():
            base = row_base + s * rows_per_tile
            pltpu.sync_copy(src_hbm.at[pl.ds(base, 16)],
                            src_c.at[pl.ds(0, 16)])
            pltpu.sync_copy(dst_hbm.at[pl.ds(base, 16)],
                            dst_c.at[pl.ds(0, 16)])
            pltpu.sync_copy(
                z128_hbm, acc_sh.at[pl.ds(s * NODES_PER_TILE, NODES_PER_TILE)])
            plsc.subcore_barrier()

            pltpu.async_copy(g_hbm.at[src_c.at[0]], rows2.at[0], gsem2.at[0])

            def edge_step(r, carry):
                p = r % 2
                q = (r + 1) % 2

                @pl.when(jnp.logical_and((r + 1) % 16 == 0,
                                         r + 1 < rows_per_tile))
                def _():
                    off = pl.multiple_of(base + r + 1, 8)
                    woff = pl.multiple_of((r + 1) % 32, 8)
                    pltpu.sync_copy(src_hbm.at[pl.ds(off, 16)],
                                    src_c.at[pl.ds(woff, 16)])
                    pltpu.sync_copy(dst_hbm.at[pl.ds(off, 16)],
                                    dst_c.at[pl.ds(woff, 16)])

                @pl.when(r + 1 < rows_per_tile)
                def _():
                    pltpu.async_copy(g_hbm.at[src_c.at[(r + 1) % 32]],
                                     rows2.at[q], gsem2.at[q])

                pltpu.make_async_copy(g_hbm.at[src_c.at[r % 32]], rows2.at[p],
                                      gsem2.at[p]).wait()
                pltpu.async_copy(rows2.at[p], acc_sh.at[dst_c.at[r % 32]],
                                 ssem, add=True).wait()
                return carry
            lax.fori_loop(0, rows_per_tile, edge_step, 0)
            plsc.subcore_barrier()

            pltpu.sync_copy(
                acc_sh.at[pl.ds(s * NODES_PER_TILE, NODES_PER_TILE)],
                acc_hbm.at[pl.ds(s * NODES_PER_TILE, NODES_PER_TILE)])
    return body


def _make_edge_kernel(core, rows_per_tile, row_base, interpret=False):
    return pl.kernel(
        _edge_body_for(core, rows_per_tile, row_base),
        out_type=jax.ShapeDtypeStruct((N_PAD, D), jnp.float32),
        mesh=_mesh,
        scratch_types=[
            pltpu.VMEM((32, CHUNK), jnp.int32),
            pltpu.VMEM((32, CHUNK), jnp.int32),
            pltpu.VMEM((2, CHUNK, D), jnp.float32),
            pltpu.VMEM_SHARED((N_PAD, D), jnp.float32),
            pltpu.SemaphoreType.DMA((2,)),
            pltpu.SemaphoreType.DMA,
        ],
        interpret=interpret,
    )


_edge_kernel_a = _make_edge_kernel(0, EROWS // NS, 0)


def _matmul_body(x_ref, wt_ref, d_ref, g_ref):
    dis = lax.rsqrt(d_ref[...] + 1.0)
    h = jnp.dot(x_ref[...], wt_ref[...], preferred_element_type=jnp.float32)
    g_ref[...] = dis * h


_BLK = 400
_matmul = pl.pallas_call(
    _matmul_body,
    grid=(N_NODES // _BLK,),
    in_specs=[
        pl.BlockSpec((_BLK, D), lambda i: (i, 0)),
        pl.BlockSpec((D, D), lambda i: (0, 0)),
        pl.BlockSpec((_BLK, 1), lambda i: (i, 0)),
    ],
    out_specs=pl.BlockSpec((_BLK, D), lambda i: (i, 0)),
    out_shape=jax.ShapeDtypeStruct((N_NODES, D), jnp.float32),
)


def _combine_body(a0_ref, g_ref, d_ref, b_ref, out_ref):
    dis = lax.rsqrt(d_ref[...] + 1.0)
    out_ref[...] = dis * (a0_ref[...] + g_ref[...]) + b_ref[...]


_combine = pl.pallas_call(
    _combine_body,
    grid=(N_NODES // _BLK,),
    in_specs=[
        pl.BlockSpec((_BLK, D), lambda i: (i, 0)),
        pl.BlockSpec((_BLK, D), lambda i: (i, 0)),
        pl.BlockSpec((_BLK, 1), lambda i: (i, 0)),
        pl.BlockSpec((1, D), lambda i: (0, 0)),
    ],
    out_specs=pl.BlockSpec((_BLK, D), lambda i: (i, 0)),
    out_shape=jax.ShapeDtypeStruct((N_NODES, D), jnp.float32),
)


def kernel(x, edge_index, W, b):
    ei = edge_index.astype(jnp.int32)
    src2d = jnp.concatenate(
        [ei[0], jnp.zeros((E_PAD - N_EDGES,), jnp.int32)]).reshape(EROWS, CHUNK)
    dst2d = jnp.concatenate(
        [ei[1], jnp.full((E_PAD - N_EDGES,), N_PAD - 1, jnp.int32)]
    ).reshape(EROWS, CHUNK)

    idx128 = lax.iota(jnp.int32, CHUNK).reshape(1, CHUNK)
    z128 = jnp.zeros((NODES_PER_TILE, D), jnp.float32)

    deg = _deg_kernel(dst2d, idx128, z128[:HROWS])
    deg_col = deg.reshape(HROWS * CHUNK, 1)[:N_NODES]
    g = _matmul(x, W.T, deg_col)
    acc = _edge_kernel_a(g, src2d, dst2d, z128)
    return _combine(acc, g, deg_col, b.reshape(1, D))

# --- scband reference (transcript-rebuilt; emitter-appended) ---
"""Pipeline reference for scband-gcnlayer-18683107737862 (READ-ONLY COPY).

The authoritative reference and input builder live on the scoring server;
editing this copy changes nothing except your own understanding.
"""

import jax, jax.numpy as jnp
import numpy as np

N_NODES = 10000
N_EDGES = 320000
D_IN = 128
D_OUT = 128

def setup_inputs(seed: int = 0) -> dict:
    key = jax.random.key(seed)
    k_x, k_ei, k_w, k_b = jax.random.split(key, 4)
    x = jax.random.normal(k_x, (N_NODES, D_IN), dtype=jnp.float32)
    edge_index = jax.random.randint(k_ei, (2, N_EDGES), 0, N_NODES, dtype=jnp.int64)
    # GCNConv linear weight [out_channels, in_channels], glorot init; bias zeros
    limit = float(np.sqrt(6.0 / (D_IN + D_OUT)))
    W = jax.random.uniform(k_w, (D_OUT, D_IN), minval=-limit, maxval=limit, dtype=jnp.float32)
    b = jnp.zeros((D_OUT,), dtype=jnp.float32)
    return {"x": x, "edge_index": edge_index, "W": W, "b": b}

def reference(x, edge_index, W, b):
    # Faithful GCNConv: linear -> add self loops -> sym norm -> scatter-add -> bias
    N = x.shape[0]
    loop = jnp.arange(N, dtype=edge_index.dtype)
    src = jnp.concatenate([edge_index[0], loop])
    dst = jnp.concatenate([edge_index[1], loop])
    ew = jnp.ones(src.shape[0], dtype=x.dtype)
    deg = jnp.zeros((N,), dtype=x.dtype).at[dst].add(ew)
    deg_inv_sqrt = jnp.where(deg > 0, jax.lax.rsqrt(deg), 0.0)
    norm = deg_inv_sqrt[src] * ew * deg_inv_sqrt[dst]
    h = x @ W.T
    msg = norm[:, None] * h[src]
    out = jnp.zeros((N, h.shape[1]), dtype=x.dtype).at[dst].add(msg)
    out = out + b
    return out

if __name__ == "__main__":
    import jax
    _d = setup_inputs()
    print(jax.jit(kernel)(*tuple(_d.values())))

</pallas_src>

<mosaic_0001>
#map = affine_map<(d0, d1) -> (0, 0)>
module attributes {stable_mosaic.version = 14 : i64} {
  func.func @_deg_body(%arg0: i32, %arg1: i32, %arg2: memref<2560x128xi32, #tpu.memory_space<hbm>>, %arg3: memref<1x128xi32, #tpu.memory_space<hbm>>, %arg4: memref<128x128xf32, #tpu.memory_space<hbm>>, %arg5: memref<128x128xf32, #tpu.memory_space<hbm>>, %arg6: memref<160x128xi32, #tpu.memory_space<vmem>>, %arg7: memref<128x128xf32, #tpu.memory_space<vmem>>, %arg8: memref<1x128xi32, #tpu.memory_space<vmem>>, %arg9: memref<128x128xf32, #tpu.memory_space<vmem_shared>>) attributes {dimension_semantics = [#tpu.dimension_semantics<core_parallel>, #tpu.dimension_semantics<subcore_parallel>], iteration_bounds = array<i64: 2, 16>, scalar_prefetch = 0 : i64, scratch_operands = 4 : i64, tpu.core_type = #tpu.core_type<sc_vector_subcore>, window_params = [{transform_indices = #map}, {transform_indices = #map}, {transform_indices = #map}, {transform_indices = #map}]} {
    %eq3A = arith.constant 0 : i32
    %eq3A_0 = arith.cmpi eq, %arg0, %eq3A : i32
    %convert_element_type3A = arith.extui %eq3A_0 : i1 to i32
    %cond3A = arith.constant 0 : i32
    %cond3A_1 = arith.cmpi ne, %convert_element_type3A, %cond3A : i32
    scf.if %cond3A_1 {
      %mul3A = arith.constant 160 : i32
      %mul3A_2 = arith.muli %arg1, %mul3A : i32
      "tpu.region"() ({
        %run_scoped3A_16 = tpu.sem_alloc : memref<!tpu.dma_semaphore, #tpu.memory_space<semaphore_mem>>
        %dma_start3A = arith.constant 0 : i32
        %dma_start3A_17 = tpu.memref_slice %arg2[%mul3A_2, %dma_start3A] : memref<2560x128xi32, #tpu.memory_space<hbm>> -> memref<160x128xi32, #tpu.memory_space<hbm>>
        %dma_start3A_18 = arith.constant 0 : i32
        %dma_start3A_19 = tpu.memref_slice %arg2[%mul3A_2, %dma_start3A_18] : memref<2560x128xi32, #tpu.memory_space<hbm>> -> memref<160x128xi32, #tpu.memory_space<hbm>>
        tpu.enqueue_dma source(%dma_start3A_19 : memref<160x128xi32, #tpu.memory_space<hbm>>) target(%arg6 : memref<160x128xi32, #tpu.memory_space<vmem>>) target_semaphore(%run_scoped3A_16 : memref<!tpu.dma_semaphore, #tpu.memory_space<semaphore_mem>>)
        %dma_wait3A = arith.constant 0 : i32
        %dma_wait3A_20 = tpu.memref_slice %arg2[%mul3A_2, %dma_wait3A] : memref<2560x128xi32, #tpu.memory_space<hbm>> -> memref<160x128xi32, #tpu.memory_space<hbm>>
        %dma_wait3A_21 = arith.constant 0 : i32
        %dma_wait3A_22 = tpu.memref_slice %arg2[%mul3A_2, %dma_wait3A_21] : memref<2560x128xi32, #tpu.memory_space<hbm>> -> memref<160x128xi32, #tpu.memory_space<hbm>>
        tpu.wait_dma2 semaphore(%run_scoped3A_16 : memref<!tpu.dma_semaphore, #tpu.memory_space<semaphore_mem>>) src(%dma_wait3A_22 : memref<160x128xi32, #tpu.memory_space<hbm>>) dst(%arg6 : memref<160x128xi32, #tpu.memory_space<vmem>>)
        tpu.yield
      }) : () -> ()
      "tpu.region"() ({
        %run_scoped3A_16 = tpu.sem_alloc : memref<!tpu.dma_semaphore, #tpu.memory_space<semaphore_mem>>
        tpu.enqueue_dma source(%arg4 : memref<128x128xf32, #tpu.memory_space<hbm>>) target(%arg7 : memref<128x128xf32, #tpu.memory_space<vmem>>) target_semaphore(%run_scoped3A_16 : memref<!tpu.dma_semaphore, #tpu.memory_space<semaphore_mem>>)
        tpu.wait_dma2 semaphore(%run_scoped3A_16 : memref<!tpu.dma_semaphore, #tpu.memory_space<semaphore_mem>>) src(%arg4 : memref<128x128xf32, #tpu.memory_space<hbm>>) dst(%arg7 : memref<128x128xf32, #tpu.memory_space<vmem>>)
        tpu.yield
      }) : () -> ()
      "tpu.region"() ({
        %run_scoped3A_16 = tpu.sem_alloc : memref<!tpu.dma_semaphore, #tpu.memory_space<semaphore_mem>>
        tpu.enqueue_dma source(%arg3 : memref<1x128xi32, #tpu.memory_space<hbm>>) target(%arg8 : memref<1x128xi32, #tpu.memory_space<vmem>>) target_semaphore(%run_scoped3A_16 : memref<!tpu.dma_semaphore, #tpu.memory_space<semaphore_mem>>)
        tpu.wait_dma2 semaphore(%run_scoped3A_16 : memref<!tpu.dma_semaphore, #tpu.memory_space<semaphore_mem>>) src(%arg3 : memref<1x128xi32, #tpu.memory_space<hbm>>) dst(%arg8 : memref<1x128xi32, #tpu.memory_space<vmem>>)
        tpu.yield
      }) : () -> ()
      %mul3A_3 = arith.constant 8 : i32
      %mul3A_4 = arith.muli %arg1, %mul3A_3 : i32
      "tpu.region"() ({
        %run_scoped3A_16 = tpu.sem_alloc : memref<!tpu.dma_semaphore, #tpu.memory_space<semaphore_mem>>
        %dma_start3A = arith.constant 0 : i32
        %dma_start3A_17 = tpu.memref_slice %arg9[%mul3A_4, %dma_start3A] : memref<128x128xf32, #tpu.memory_space<vmem_shared>> -> memref<8x128xf32, #tpu.memory_space<vmem_shared>>
        %dma_start3A_18 = arith.constant 0 : i32
        %dma_start3A_19 = arith.constant 0 : i32
        %dma_start3A_20 = tpu.memref_slice %arg4[%dma_start3A_18, %dma_start3A_19] : memref<128x128xf32, #tpu.memory_space<hbm>> -> memref<8x128xf32, #tpu.memory_space<hbm>>
        tpu.enqueue_dma source(%dma_start3A_20 : memref<8x128xf32, #tpu.memory_space<hbm>>) target(%dma_start3A_17 : memref<8x128xf32, #tpu.memory_space<vmem_shared>>) target_semaphore(%run_scoped3A_16 : memref<!tpu.dma_semaphore, #tpu.memory_space<semaphore_mem>>)
        %dma_wait3A = arith.constant 0 : i32
        %dma_wait3A_21 = tpu.memref_slice %arg9[%mul3A_4, %dma_wait3A] : memref<128x128xf32, #tpu.memory_space<vmem_shared>> -> memref<8x128xf32, #tpu.memory_space<vmem_shared>>
        %dma_wait3A_22 = arith.constant 0 : i32
        %dma_wait3A_23 = arith.constant 0 : i32
        %dma_wait3A_24 = tpu.memref_slice %arg4[%dma_wait3A_22, %dma_wait3A_23] : memref<128x128xf32, #tpu.memory_space<hbm>> -> memref<8x128xf32, #tpu.memory_space<hbm>>
        tpu.wait_dma2 semaphore(%run_scoped3A_16 : memref<!tpu.dma_semaphore, #tpu.memory_space<semaphore_mem>>) src(%dma_wait3A_24 : memref<8x128xf32, #tpu.memory_space<hbm>>) dst(%dma_wait3A_21 : memref<8x128xf32, #tpu.memory_space<vmem_shared>>)
        tpu.yield
      }) : () -> ()
      %broadcast_in_dim3A = arith.constant 1.000000e+00 : f32
      %broadcast_in_dim3A_5 = vector.broadcast %broadcast_in_dim3A : f32 to vector<16xf32>
      %scan3A = arith.constant 0 : i32
      %scan3A_6 = arith.constant 0 : i32
      %scan3A_7 = arith.constant 1280 : i32
      %scan3A_8 = arith.addi %scan3A_6, %scan3A_7 : i32
      %scan3A_9 = arith.constant 1 : i32
      scf.for %scan3A_16 = %scan3A_6 to %scan3A_8 step %scan3A_9  : i32 {
        %jit3A = arith.constant 8 : i32
        %div3A = arith.divsi %scan3A_16, %jit3A : i32
        %sign3A = arith.constant 0 : i32
        %sign3A_17 = arith.cmpi sgt, %scan3A_16, %sign3A : i32
        %sign3A_18 = arith.extui %sign3A_17 : i1 to i32
        %sign3A_19 = arith.constant 0 : i32
        %sign3A_20 = arith.cmpi slt, %scan3A_16, %sign3A_19 : i32
        %sign3A_21 = arith.extui %sign3A_20 : i1 to i32
        %sign3A_22 = arith.subi %sign3A_18, %sign3A_21 : i32
        %sign3A_23 = arith.constant 0 : i32
        %sign3A_24 = arith.cmpi sgt, %jit3A, %sign3A_23 : i32
        %sign3A_25 = arith.extui %sign3A_24 : i1 to i32
        %sign3A_26 = arith.constant 0 : i32
        %sign3A_27 = arith.cmpi slt, %jit3A, %sign3A_26 : i32
        %sign3A_28 = arith.extui %sign3A_27 : i1 to i32
        %sign3A_29 = arith.subi %sign3A_25, %sign3A_28 : i32
        %ne3A = arith.cmpi ne, %sign3A_22, %sign3A_29 : i32
        %rem3A = arith.remsi %scan3A_16, %jit3A : i32
        %ne3A_30 = arith.constant 0 : i32
        %ne3A_31 = arith.cmpi ne, %rem3A, %ne3A_30 : i32
        %and3A = arith.andi %ne3A, %ne3A_31 : i1
        %sub3A = arith.constant 1 : i32
        %sub3A_32 = arith.subi %div3A, %sub3A : i32
        %select_n3A = arith.select %and3A, %sub3A_32, %div3A : i32
        %jit3A_33 = arith.constant 8 : i32
        %eq3A_34 = arith.constant 0 : i32
        %eq3A_35 = arith.cmpi eq, %jit3A_33, %eq3A_34 : i32
        %jit3A_36 = arith.constant 1 : i32
        %select_n3A_37 = arith.select %eq3A_35, %jit3A_36, %jit3A_33 : i32
        %rem3A_38 = arith.remsi %scan3A_16, %select_n3A_37 : i32
        %ne3A_39 = arith.constant 0 : i32
        %ne3A_40 = arith.cmpi ne, %rem3A_38, %ne3A_39 : i32
        %lt3A = arith.constant 0 : i32
        %lt3A_41 = arith.cmpi slt, %rem3A_38, %lt3A : i32
        %lt3A_42 = arith.constant 0 : i32
        %lt3A_43 = arith.cmpi slt, %select_n3A_37, %lt3A_42 : i32
        %ne3A_44 = arith.xori %lt3A_41, %lt3A_43 : i1
        %and3A_45 = arith.andi %ne3A_44, %ne3A_40 : i1
        %add3A = arith.addi %rem3A_38, %select_n3A_37 : i32
        %select_n3A_46 = arith.select %and3A_45, %add3A, %rem3A_38 : i32
        %mul3A_47 = arith.constant 16 : i32
        %mul3A_48 = arith.muli %select_n3A_46, %mul3A_47 : i32
        %get3A = arith.index_cast %select_n3A : i32 to index
        %get3A_49 = arith.index_cast %mul3A_48 : i32 to index
        %get3A_50 = tpu.vector_load %arg6[%get3A, %get3A_49] {strides = array<i32>} : memref<160x128xi32, #tpu.memory_space<vmem>>, vector<16xi32>,
        %shift_right_arithmetic3A = arith.constant 7 : i32
        %shift_right_arithmetic3A_51 = vector.broadcast %shift_right_arithmetic3A : i32 to vector<16xi32>
        %shift_right_arithmetic3A_52 = arith.shrsi %get3A_50, %shift_right_arithmetic3A_51 : vector<16xi32>
        %and3A_53 = arith.constant 127 : i32
        %and3A_54 = vector.broadcast %and3A_53 : i32 to vector<16xi32>
        %and3A_55 = arith.andi %get3A_50, %and3A_54 : vector<16xi32>
        tpu.vector_store_idx %arg7[%shift_right_arithmetic3A_52, %and3A_55], %broadcast_in_dim3A_5 {add = true} : memref<128x128xf32, #tpu.memory_space<vmem>>[vector<16xi32>, vector<16xi32>], vector<16xf32>,
      }
      %scan3A_10 = arith.constant 1280 : i32
      %barrier3A = arith.constant 0 : index
      tpu.barrier barrier_id(%barrier3A)
      %run_scoped3A = arith.constant 0 : i32
      "tpu.region"() ({
        %run_scoped3A_16 = tpu.sem_alloc : memref<!tpu.dma_semaphore, #tpu.memory_space<semaphore_mem>>
        %dma_start3A = arith.constant 0 : i32
        %dma_start3A_17 = tpu.memref_slice %arg8[%run_scoped3A, %dma_start3A] : memref<1x128xi32, #tpu.memory_space<vmem>> -> memref<1x128xi32, #tpu.memory_space<vmem>>
        %dma_start3A_18 = tpu.memref_squeeze %dma_start3A_17 : memref<1x128xi32, #tpu.memory_space<vmem>> -> memref<128xi32, #tpu.memory_space<vmem>>
        %dma_start3A_19 = arith.constant 0 : i32
        %dma_start3A_20 = arith.constant 0 : i32
        %dma_start3A_21 = tpu.memref_slice %arg9[%dma_start3A_19, %dma_start3A_20] : memref<128x128xf32, #tpu.memory_space<vmem_shared>> -> memref<128x128xf32, #tpu.memory_space<vmem_shared>>
        tpu.enqueue_indirect_dma source(%arg7 : memref<128x128xf32, #tpu.memory_space<vmem>>) target(%dma_start3A_21 : memref<128x128xf32, #tpu.memory_space<vmem_shared>>) offsets(%dma_start3A_18 : memref<128xi32, #tpu.memory_space<vmem>>) semaphore(%run_scoped3A_16 : memref<!tpu.dma_semaphore, #tpu.memory_space<semaphore_mem>>) {add = true}
        %dma_wait3A = arith.constant 0 : i32
        %dma_wait3A_22 = tpu.memref_slice %arg8[%run_scoped3A, %dma_wait3A] : memref<1x128xi32, #tpu.memory_space<vmem>> -> memref<1x128xi32, #tpu.memory_space<vmem>>
        %dma_wait3A_23 = tpu.memref_squeeze %dma_wait3A_22 : memref<1x128xi32, #tpu.memory_space<vmem>> -> memref<128xi32, #tpu.memory_space<vmem>>
        %dma_wait3A_24 = arith.constant 0 : i32
        %dma_wait3A_25 = arith.constant 0 : i32
        %dma_wait3A_26 = tpu.memref_slice %arg9[%dma_wait3A_24, %dma_wait3A_25] : memref<128x128xf32, #tpu.memory_space<vmem_shared>> -> memref<128x128xf32, #tpu.memory_space<vmem_shared>>
        tpu.wait_indirect_dma semaphore(%run_scoped3A_16 : memref<!tpu.dma_semaphore, #tpu.memory_space<semaphore_mem>>) src(%arg7 : memref<128x128xf32, #tpu.memory_space<vmem>>) dst(%dma_wait3A_26 : memref<128x128xf32, #tpu.memory_space<vmem_shared>>)
        tpu.yield
      }) : () -> ()
      %barrier3A_11 = arith.constant 0 : index
      tpu.barrier barrier_id(%barrier3A_11)
      %mul3A_12 = arith.constant 8 : i32
      %mul3A_13 = arith.muli %arg1, %mul3A_12 : i32
      %mul3A_14 = arith.constant 8 : i32
      %mul3A_15 = arith.muli %arg1, %mul3A_14 : i32
      "tpu.region"() ({
        %run_scoped3A_16 = tpu.sem_alloc : memref<!tpu.dma_semaphore, #tpu.memory_space<semaphore_mem>>
        %dma_start3A = arith.constant 0 : i32
        %dma_start3A_17 = tpu.memref_slice %arg5[%mul3A_15, %dma_start3A] : memref<128x128xf32, #tpu.memory_space<hbm>> -> memref<8x128xf32, #tpu.memory_space<hbm>>
        %dma_start3A_18 = arith.constant 0 : i32
        %dma_start3A_19 = tpu.memref_slice %arg9[%mul3A_13, %dma_start3A_18] : memref<128x128xf32, #tpu.memory_space<vmem_shared>> -> memref<8x128xf32, #tpu.memory_space<vmem_shared>>
        tpu.enqueue_dma source(%dma_start3A_19 : memref<8x128xf32, #tpu.memory_space<vmem_shared>>) target(%dma_start3A_17 : memref<8x128xf32, #tpu.memory_space<hbm>>) target_semaphore(%run_scoped3A_16 : memref<!tpu.dma_semaphore, #tpu.memory_space<semaphore_mem>>)
        %dma_wait3A = arith.constant 0 : i32
        %dma_wait3A_20 = tpu.memref_slice %arg5[%mul3A_15, %dma_wait3A] : memref<128x128xf32, #tpu.memory_space<hbm>> -> memref<8x128xf32, #tpu.memory_space<hbm>>
        %dma_wait3A_21 = arith.constant 0 : i32
        %dma_wait3A_22 = tpu.memref_slice %arg9[%mul3A_13, %dma_wait3A_21] : memref<128x128xf32, #tpu.memory_space<vmem_shared>> -> memref<8x128xf32, #tpu.memory_space<vmem_shared>>
        tpu.wait_dma2 semaphore(%run_scoped3A_16 : memref<!tpu.dma_semaphore, #tpu.memory_space<semaphore_mem>>) src(%dma_wait3A_22 : memref<8x128xf32, #tpu.memory_space<vmem_shared>>) dst(%dma_wait3A_20 : memref<8x128xf32, #tpu.memory_space<hbm>>)
        tpu.yield
      }) : () -> ()
    } else {
    }
    return
  }
}

#map = affine_map<(d0, d1) -> (0, 0)>
module attributes {stable_mosaic.version = 14 : i64} {
  func.func @body(%arg0: i32, %arg1: i32, %arg2: memref<10000x128xf32, #tpu.memory_space<hbm>>, %arg3: memref<2560x128xi32, #tpu.memory_space<hbm>>, %arg4: memref<2560x128xi32, #tpu.memory_space<hbm>>, %arg5: memref<640x128xf32, #tpu.memory_space<hbm>>, %arg6: memref<10240x128xf32, #tpu.memory_space<hbm>>, %arg7: memref<32x128xi32, #tpu.memory_space<vmem>>, %arg8: memref<32x128xi32, #tpu.memory_space<vmem>>, %arg9: memref<2x128x128xf32, #tpu.memory_space<vmem>>, %arg10: memref<10240x128xf32, #tpu.memory_space<vmem_shared>>, %arg11: memref<2x!tpu.dma_semaphore, #tpu.memory_space<semaphore_mem>>, %arg12: memref<!tpu.dma_semaphore, #tpu.memory_space<semaphore_mem>>) attributes {dimension_semantics = [#tpu.dimension_semantics<core_parallel>, #tpu.dimension_semantics<subcore_parallel>], iteration_bounds = array<i64: 2, 16>, scalar_prefetch = 0 : i64, scratch_operands = 6 : i64, tpu.core_type = #tpu.core_type<sc_vector_subcore>, window_params = [{transform_indices = #map}, {transform_indices = #map}, {transform_indices = #map}, {transform_indices = #map}, {transform_indices = #map}]} {
    %eq3A = arith.constant 0 : i32
    %eq3A_0 = arith.cmpi eq, %arg0, %eq3A : i32
    %convert_element_type3A = arith.extui %eq3A_0 : i1 to i32
    %cond3A = arith.constant 0 : i32
    %cond3A_1 = arith.cmpi ne, %convert_element_type3A, %cond3A : i32
    scf.if %cond3A_1 {
      %mul3A = arith.constant 160 : i32
      %mul3A_2 = arith.muli %arg1, %mul3A : i32
      %add3A = arith.constant 0 : i32
      %add3A_3 = arith.addi %add3A, %mul3A_2 : i32
      "tpu.region"() ({
        %run_scoped3A = tpu.sem_alloc : memref<!tpu.dma_semaphore, #tpu.memory_space<semaphore_mem>>
        %dma_start3A_30 = arith.constant 0 : i32
        %dma_start3A_31 = arith.constant 0 : i32
        %dma_start3A_32 = tpu.memref_slice %arg7[%dma_start3A_30, %dma_start3A_31] : memref<32x128xi32, #tpu.memory_space<vmem>> -> memref<16x128xi32, #tpu.memory_space<vmem>>
        %dma_start3A_33 = arith.constant 0 : i32
        %dma_start3A_34 = tpu.memref_slice %arg3[%add3A_3, %dma_start3A_33] : memref<2560x128xi32, #tpu.memory_space<hbm>> -> memref<16x128xi32, #tpu.memory_space<hbm>>
        %dma_start3A_35 = arith.constant 0 : i32
        %dma_start3A_36 = arith.constant 0 : i32
        %dma_start3A_37 = tpu.memref_slice %arg7[%dma_start3A_35, %dma_start3A_36] : memref<32x128xi32, #tpu.memory_space<vmem>> -> memref<16x128xi32, #tpu.memory_space<vmem>>
        %dma_start3A_38 = arith.constant 0 : i32
        %dma_start3A_39 = tpu.memref_slice %arg3[%add3A_3, %dma_start3A_38] : memref<2560x128xi32, #tpu.memory_space<hbm>> -> memref<16x128xi32, #tpu.memory_space<hbm>>
        tpu.enqueue_dma source(%dma_start3A_39 : memref<16x128xi32, #tpu.memory_space<hbm>>) target(%dma_start3A_37 : memref<16x128xi32, #tpu.memory_space<vmem>>) target_semaphore(%run_scoped3A : memref<!tpu.dma_semaphore, #tpu.memory_space<semaphore_mem>>)
        %dma_wait3A = arith.constant 0 : i32
        %dma_wait3A_40 = arith.constant 0 : i32
        %dma_wait3A_41 = tpu.memref_slice %arg7[%dma_wait3A, %dma_wait3A_40] : memref<32x128xi32, #tpu.memory_space<vmem>> -> memref<16x128xi32, #tpu.memory_space<vmem>>
        %dma_wait3A_42 = arith.constant 0 : i32
        %dma_wait3A_43 = tpu.memref_slice %arg3[%add3A_3, %dma_wait3A_42] : memref<2560x128xi32, #tpu.memory_space<hbm>> -> memref<16x128xi32, #tpu.memory_space<hbm>>
        %dma_wait3A_44 = arith.constant 0 : i32
        %dma_wait3A_45 = arith.constant 0 : i32
        %dma_wait3A_46 = tpu.memref_slice %arg7[%dma_wait3A_44, %dma_wait3A_45] : memref<32x128xi32, #tpu.memory_space<vmem>> -> memref<16x128xi32, #tpu.memory_space<vmem>>
        %dma_wait3A_47 = arith.constant 0 : i32
        %dma_wait3A_48 = tpu.memref_slice %arg3[%add3A_3, %dma_wait3A_47] : memref<2560x128xi32, #tpu.memory_space<hbm>> -> memref<16x128xi32, #tpu.memory_space<hbm>>
        tpu.wait_dma2 semaphore(%run_scoped3A : memref<!tpu.dma_semaphore, #tpu.memory_space<semaphore_mem>>) src(%dma_wait3A_48 : memref<16x128xi32, #tpu.memory_space<hbm>>) dst(%dma_wait3A_46 : memref<16x128xi32, #tpu.memory_space<vmem>>)
        tpu.yield
      }) : () -> ()
      "tpu.region"() ({
        %run_scoped3A = tpu.sem_alloc : memref<!tpu.dma_semaphore, #tpu.memory_space<semaphore_mem>>
        %dma_start3A_30 = arith.constant 0 : i32
        %dma_start3A_31 = arith.constant 0 : i32
        %dma_start3A_32 = tpu.memref_slice %arg8[%dma_start3A_30, %dma_start3A_31] : memref<32x128xi32, #tpu.memory_space<vmem>> -> memref<16x128xi32, #tpu.memory_space<vmem>>
        %dma_start3A_33 = arith.constant 0 : i32
        %dma_start3A_34 = tpu.memref_slice %arg4[%add3A_3, %dma_start3A_33] : memref<2560x128xi32, #tpu.memory_space<hbm>> -> memref<16x128xi32, #tpu.memory_space<hbm>>
        %dma_start3A_35 = arith.constant 0 : i32
        %dma_start3A_36 = arith.constant 0 : i32
        %dma_start3A_37 = tpu.memref_slice %arg8[%dma_start3A_35, %dma_start3A_36] : memref<32x128xi32, #tpu.memory_space<vmem>> -> memref<16x128xi32, #tpu.memory_space<vmem>>
        %dma_start3A_38 = arith.constant 0 : i32
        %dma_start3A_39 = tpu.memref_slice %arg4[%add3A_3, %dma_start3A_38] : memref<2560x128xi32, #tpu.memory_space<hbm>> -> memref<16x128xi32, #tpu.memory_space<hbm>>
        tpu.enqueue_dma source(%dma_start3A_39 : memref<16x128xi32, #tpu.memory_space<hbm>>) target(%dma_start3A_37 : memref<16x128xi32, #tpu.memory_space<vmem>>) target_semaphore(%run_scoped3A : memref<!tpu.dma_semaphore, #tpu.memory_space<semaphore_mem>>)
        %dma_wait3A = arith.constant 0 : i32
        %dma_wait3A_40 = arith.constant 0 : i32
        %dma_wait3A_41 = tpu.memref_slice %arg8[%dma_wait3A, %dma_wait3A_40] : memref<32x128xi32, #tpu.memory_space<vmem>> -> memref<16x128xi32, #tpu.memory_space<vmem>>
        %dma_wait3A_42 = arith.constant 0 : i32
        %dma_wait3A_43 = tpu.memref_slice %arg4[%add3A_3, %dma_wait3A_42] : memref<2560x128xi32, #tpu.memory_space<hbm>> -> memref<16x128xi32, #tpu.memory_space<hbm>>
        %dma_wait3A_44 = arith.constant 0 : i32
        %dma_wait3A_45 = arith.constant 0 : i32
        %dma_wait3A_46 = tpu.memref_slice %arg8[%dma_wait3A_44, %dma_wait3A_45] : memref<32x128xi32, #tpu.memory_space<vmem>> -> memref<16x128xi32, #tpu.memory_space<vmem>>
        %dma_wait3A_47 = arith.constant 0 : i32
        %dma_wait3A_48 = tpu.memref_slice %arg4[%add3A_3, %dma_wait3A_47] : memref<2560x128xi32, #tpu.memory_space<hbm>> -> memref<16x128xi32, #tpu.memory_space<hbm>>
        tpu.wait_dma2 semaphore(%run_scoped3A : memref<!tpu.dma_semaphore, #tpu.memory_space<semaphore_mem>>) src(%dma_wait3A_48 : memref<16x128xi32, #tpu.memory_space<hbm>>) dst(%dma_wait3A_46 : memref<16x128xi32, #tpu.memory_space<vmem>>)
        tpu.yield
      }) : () -> ()
      %mul3A_4 = arith.constant 640 : i32
      %mul3A_5 = arith.muli %arg1, %mul3A_4 : i32
      "tpu.region"() ({
        %run_scoped3A = tpu.sem_alloc : memref<!tpu.dma_semaphore, #tpu.memory_space<semaphore_mem>>
        %dma_start3A_30 = arith.constant 0 : i32
        %dma_start3A_31 = tpu.memref_slice %arg10[%mul3A_5, %dma_start3A_30] : memref<10240x128xf32, #tpu.memory_space<vmem_shared>> -> memref<640x128xf32, #tpu.memory_space<vmem_shared>>
        tpu.enqueue_dma source(%arg5 : memref<640x128xf32, #tpu.memory_space<hbm>>) target(%dma_start3A_31 : memref<640x128xf32, #tpu.memory_space<vmem_shared>>) target_semaphore(%run_scoped3A : memref<!tpu.dma_semaphore, #tpu.memory_space<semaphore_mem>>)
        %dma_wait3A = arith.constant 0 : i32
        %dma_wait3A_32 = tpu.memref_slice %arg10[%mul3A_5, %dma_wait3A] : memref<10240x128xf32, #tpu.memory_space<vmem_shared>> -> memref<640x128xf32, #tpu.memory_space<vmem_shared>>
        tpu.wait_dma2 semaphore(%run_scoped3A : memref<!tpu.dma_semaphore, #tpu.memory_space<semaphore_mem>>) src(%arg5 : memref<640x128xf32, #tpu.memory_space<hbm>>) dst(%dma_wait3A_32 : memref<640x128xf32, #tpu.memory_space<vmem_shared>>)
        tpu.yield
      }) : () -> ()
      %barrier3A = arith.constant 0 : index
      tpu.barrier barrier_id(%barrier3A)
      %dma_start3A = arith.constant 0 : i32
      %dma_start3A_6 = arith.constant 0 : i32
      %dma_start3A_7 = arith.constant 0 : i32
      %dma_start3A_8 = arith.constant 0 : i32
      %dma_start3A_9 = arith.constant 0 : i32
      %dma_start3A_10 = tpu.memref_slice %arg9[%dma_start3A_6, %dma_start3A_8, %dma_start3A_9] : memref<2x128x128xf32, #tpu.memory_space<vmem>> -> memref<1x128x128xf32, #tpu.memory_space<vmem>>
      %dma_start3A_11 = tpu.memref_squeeze %dma_start3A_10 : memref<1x128x128xf32, #tpu.memory_space<vmem>> -> memref<128x128xf32, #tpu.memory_space<vmem>>
      %dma_start3A_12 = arith.constant 0 : i32
      %dma_start3A_13 = tpu.memref_slice %arg7[%dma_start3A, %dma_start3A_12] : memref<32x128xi32, #tpu.memory_space<vmem>> -> memref<1x128xi32, #tpu.memory_space<vmem>>
      %dma_start3A_14 = tpu.memref_squeeze %dma_start3A_13 : memref<1x128xi32, #tpu.memory_space<vmem>> -> memref<128xi32, #tpu.memory_space<vmem>>
      %dma_start3A_15 = arith.constant 0 : i32
      %dma_start3A_16 = arith.constant 0 : i32
      %dma_start3A_17 = tpu.memref_slice %arg2[%dma_start3A_15, %dma_start3A_16] : memref<10000x128xf32, #tpu.memory_space<hbm>> -> memref<10000x128xf32, #tpu.memory_space<hbm>>
      %dma_start3A_18 = tpu.memref_slice %arg11[%dma_start3A_7] : memref<2x!tpu.dma_semaphore, #tpu.memory_space<semaphore_mem>> -> memref<1x!tpu.dma_semaphore, #tpu.memory_space<semaphore_mem>>
      %dma_start3A_19 = tpu.memref_squeeze %dma_start3A_18 : memref<1x!tpu.dma_semaphore, #tpu.memory_space<semaphore_mem>> -> memref<!tpu.dma_semaphore, #tpu.memory_space<semaphore_mem>>
      tpu.enqueue_indirect_dma source(%dma_start3A_17 : memref<10000x128xf32, #tpu.memory_space<hbm>>) target(%dma_start3A_11 : memref<128x128xf32, #tpu.memory_space<vmem>>) offsets(%dma_start3A_14 : memref<128xi32, #tpu.memory_space<vmem>>) semaphore(%dma_start3A_19 : memref<!tpu.dma_semaphore, #tpu.memory_space<semaphore_mem>>)
      %scan3A = arith.constant 0 : i32
      %scan3A_20 = arith.constant 0 : i32
      %scan3A_21 = arith.constant 160 : i32
      %scan3A_22 = arith.addi %scan3A_20, %scan3A_21 : i32
      %scan3A_23 = arith.constant 1 : i32
      scf.for %scan3A_30 = %scan3A_20 to %scan3A_22 step %scan3A_23  : i32 {
        %jit3A = arith.constant 2 : i32
        %eq3A_31 = arith.constant 0 : i32
        %eq3A_32 = arith.cmpi eq, %jit3A, %eq3A_31 : i32
        %jit3A_33 = arith.constant 1 : i32
        %select_n3A = arith.select %eq3A_32, %jit3A_33, %jit3A : i32
        %rem3A = arith.remsi %scan3A_30, %select_n3A : i32
        %ne3A = arith.constant 0 : i32
        %ne3A_34 = arith.cmpi ne, %rem3A, %ne3A : i32
        %lt3A = arith.constant 0 : i32
        %lt3A_35 = arith.cmpi slt, %rem3A, %lt3A : i32
        %lt3A_36 = arith.constant 0 : i32
        %lt3A_37 = arith.cmpi slt, %select_n3A, %lt3A_36 : i32
        %ne3A_38 = arith.xori %lt3A_35, %lt3A_37 : i1
        %and3A = arith.andi %ne3A_38, %ne3A_34 : i1
        %add3A_39 = arith.addi %rem3A, %select_n3A : i32
        %select_n3A_40 = arith.select %and3A, %add3A_39, %rem3A : i32
        %add3A_41 = arith.constant 1 : i32
        %add3A_42 = arith.addi %scan3A_30, %add3A_41 : i32
        %jit3A_43 = arith.constant 2 : i32
        %eq3A_44 = arith.constant 0 : i32
        %eq3A_45 = arith.cmpi eq, %jit3A_43, %eq3A_44 : i32
        %jit3A_46 = arith.constant 1 : i32
        %select_n3A_47 = arith.select %eq3A_45, %jit3A_46, %jit3A_43 : i32
        %rem3A_48 = arith.remsi %add3A_42, %select_n3A_47 : i32
        %ne3A_49 = arith.constant 0 : i32
        %ne3A_50 = arith.cmpi ne, %rem3A_48, %ne3A_49 : i32
        %lt3A_51 = arith.constant 0 : i32
        %lt3A_52 = arith.cmpi slt, %rem3A_48, %lt3A_51 : i32
        %lt3A_53 = arith.constant 0 : i32
        %lt3A_54 = arith.cmpi slt, %select_n3A_47, %lt3A_53 : i32
        %ne3A_55 = arith.xori %lt3A_52, %lt3A_54 : i1
        %and3A_56 = arith.andi %ne3A_55, %ne3A_50 : i1
        %add3A_57 = arith.addi %rem3A_48, %select_n3A_47 : i32
        %select_n3A_58 = arith.select %and3A_56, %add3A_57, %rem3A_48 : i32
        %add3A_59 = arith.constant 1 : i32
        %add3A_60 = arith.addi %scan3A_30, %add3A_59 : i32
        %jit3A_61 = arith.constant 16 : i32
        %eq3A_62 = arith.constant 0 : i32
        %eq3A_63 = arith.cmpi eq, %jit3A_61, %eq3A_62 : i32
        %jit3A_64 = arith.constant 1 : i32
        %select_n3A_65 = arith.select %eq3A_63, %jit3A_64, %jit3A_61 : i32
        %rem3A_66 = arith.remsi %add3A_60, %select_n3A_65 : i32
        %ne3A_67 = arith.constant 0 : i32
        %ne3A_68 = arith.cmpi ne, %rem3A_66, %ne3A_67 : i32
        %lt3A_69 = arith.constant 0 : i32
        %lt3A_70 = arith.cmpi slt, %rem3A_66, %lt3A_69 : i32
        %lt3A_71 = arith.constant 0 : i32
        %lt3A_72 = arith.cmpi slt, %select_n3A_65, %lt3A_71 : i32
        %ne3A_73 = arith.xori %lt3A_70, %lt3A_72 : i1
        %and3A_74 = arith.andi %ne3A_73, %ne3A_68 : i1
        %add3A_75 = arith.addi %rem3A_66, %select_n3A_65 : i32
        %select_n3A_76 = arith.select %and3A_74, %add3A_75, %rem3A_66 : i32
        %eq3A_77 = arith.constant 0 : i32
        %eq3A_78 = arith.cmpi eq, %select_n3A_76, %eq3A_77 : i32
        %add3A_79 = arith.constant 1 : i32
        %add3A_80 = arith.addi %scan3A_30, %add3A_79 : i32
        %lt3A_81 = arith.constant 160 : i32
        %lt3A_82 = arith.cmpi slt, %add3A_80, %lt3A_81 : i32
        %and3A_83 = arith.andi %eq3A_78, %lt3A_82 : i1
        %convert_element_type3A_84 = arith.extui %and3A_83 : i1 to i32
        %cond3A_85 = arith.constant 0 : i32
        %cond3A_86 = arith.cmpi ne, %convert_element_type3A_84, %cond3A_85 : i32
        scf.if %cond3A_86 {
          %add3A_157 = arith.addi %add3A_3, %scan3A_30 : i32
          %add3A_158 = arith.constant 1 : i32
          %add3A_159 = arith.addi %add3A_157, %add3A_158 : i32
          %multiple_of3A = tpu.assume_multiple %add3A_159, 8 : i32
          %add3A_160 = arith.constant 1 : i32
          %add3A_161 = arith.addi %scan3A_30, %add3A_160 : i32
          %jit3A_162 = arith.constant 32 : i32
          %eq3A_163 = arith.constant 0 : i32
          %eq3A_164 = arith.cmpi eq, %jit3A_162, %eq3A_163 : i32
          %jit3A_165 = arith.constant 1 : i32
          %select_n3A_166 = arith.select %eq3A_164, %jit3A_165, %jit3A_162 : i32
          %rem3A_167 = arith.remsi %add3A_161, %select_n3A_166 : i32
          %ne3A_168 = arith.constant 0 : i32
          %ne3A_169 = arith.cmpi ne, %rem3A_167, %ne3A_168 : i32
          %lt3A_170 = arith.constant 0 : i32
          %lt3A_171 = arith.cmpi slt, %rem3A_167, %lt3A_170 : i32
          %lt3A_172 = arith.constant 0 : i32
          %lt3A_173 = arith.cmpi slt, %select_n3A_166, %lt3A_172 : i32
          %ne3A_174 = arith.xori %lt3A_171, %lt3A_173 : i1
          %and3A_175 = arith.andi %ne3A_174, %ne3A_169 : i1
          %add3A_176 = arith.addi %rem3A_167, %select_n3A_166 : i32
          %select_n3A_177 = arith.select %and3A_175, %add3A_176, %rem3A_167 : i32
          %multiple_of3A_178 = tpu.assume_multiple %select_n3A_177, 8 : i32
          "tpu.region"() ({
            %run_scoped3A = tpu.sem_alloc : memref<!tpu.dma_semaphore, #tpu.memory_space<semaphore_mem>>
            %dma_start3A_179 = arith.constant 0 : i32
            %dma_start3A_180 = tpu.memref_slice %arg7[%multiple_of3A_178, %dma_start3A_179] : memref<32x128xi32, #tpu.memory_space<vmem>> -> memref<16x128xi32, #tpu.memory_space<vmem>>
            %dma_start3A_181 = arith.constant 0 : i32
            %dma_start3A_182 = tpu.memref_slice %arg3[%multiple_of3A, %dma_start3A_181] : memref<2560x128xi32, #tpu.memory_space<hbm>> -> memref<16x128xi32, #tpu.memory_space<hbm>>
            %dma_start3A_183 = arith.constant 0 : i32
            %dma_start3A_184 = tpu.memref_slice %arg7[%multiple_of3A_178, %dma_start3A_183] : memref<32x128xi32, #tpu.memory_space<vmem>> -> memref<16x128xi32, #tpu.memory_space<vmem>>
            %dma_start3A_185 = arith.constant 0 : i32
            %dma_start3A_186 = tpu.memref_slice %arg3[%multiple_of3A, %dma_start3A_185] : memref<2560x128xi32, #tpu.memory_space<hbm>> -> memref<16x128xi32, #tpu.memory_space<hbm>>
            tpu.enqueue_dma source(%dma_start3A_186 : memref<16x128xi32, #tpu.memory_space<hbm>>) target(%dma_start3A_184 : memref<16x128xi32, #tpu.memory_space<vmem>>) target_semaphore(%run_scoped3A : memref<!tpu.dma_semaphore, #tpu.memory_space<semaphore_mem>>)
            %dma_wait3A_187 = arith.constant 0 : i32
            %dma_wait3A_188 = tpu.memref_slice %arg7[%multiple_of3A_178, %dma_wait3A_187] : memref<32x128xi32, #tpu.memory_space<vmem>> -> memref<16x128xi32, #tpu.memory_space<vmem>>
            %dma_wait3A_189 = arith.constant 0 : i32
            %dma_wait3A_190 = tpu.memref_slice %arg3[%multiple_of3A, %dma_wait3A_189] : memref<2560x128xi32, #tpu.memory_space<hbm>> -> memref<16x128xi32, #tpu.memory_space<hbm>>
            %dma_wait3A_191 = arith.constant 0 : i32
            %dma_wait3A_192 = tpu.memref_slice %arg7[%multiple_of3A_178, %dma_wait3A_191] : memref<32x128xi32, #tpu.memory_space<vmem>> -> memref<16x128xi32, #tpu.memory_space<vmem>>
            %dma_wait3A_193 = arith.constant 0 : i32
            %dma_wait3A_194 = tpu.memref_slice %arg3[%multiple_of3A, %dma_wait3A_193] : memref<2560x128xi32, #tpu.memory_space<hbm>> -> memref<16x128xi32, #tpu.memory_space<hbm>>
            tpu.wait_dma2 semaphore(%run_scoped3A : memref<!tpu.dma_semaphore, #tpu.memory_space<semaphore_mem>>) src(%dma_wait3A_194 : memref<16x128xi32, #tpu.memory_space<hbm>>) dst(%dma_wait3A_192 : memref<16x128xi32, #tpu.memory_space<vmem>>)
            tpu.yield
          }) : () -> ()
          "tpu.region"() ({
            %run_scoped3A = tpu.sem_alloc : memref<!tpu.dma_semaphore, #tpu.memory_space<semaphore_mem>>
            %dma_start3A_179 = arith.constant 0 : i32
            %dma_start3A_180 = tpu.memref_slice %arg8[%multiple_of3A_178, %dma_start3A_179] : memref<32x128xi32, #tpu.memory_space<vmem>> -> memref<16x128xi32, #tpu.memory_space<vmem>>
            %dma_start3A_181 = arith.constant 0 : i32
            %dma_start3A_182 = tpu.memref_slice %arg4[%multiple_of3A, %dma_start3A_181] : memref<2560x128xi32, #tpu.memory_space<hbm>> -> memref<16x128xi32, #tpu.memory_space<hbm>>
            %dma_start3A_183 = arith.constant 0 : i32
            %dma_start3A_184 = tpu.memref_slice %arg8[%multiple_of3A_178, %dma_start3A_183] : memref<32x128xi32, #tpu.memory_space<vmem>> -> memref<16x128xi32, #tpu.memory_space<vmem>>
            %dma_start3A_185 = arith.constant 0 : i32
            %dma_start3A_186 = tpu.memref_slice %arg4[%multiple_of3A, %dma_start3A_185] : memref<2560x128xi32, #tpu.memory_space<hbm>> -> memref<16x128xi32, #tpu.memory_space<hbm>>
            tpu.enqueue_dma source(%dma_start3A_186 : memref<16x128xi32, #tpu.memory_space<hbm>>) target(%dma_start3A_184 : memref<16x128xi32, #tpu.memory_space<vmem>>) target_semaphore(%run_scoped3A : memref<!tpu.dma_semaphore, #tpu.memory_space<semaphore_mem>>)
            %dma_wait3A_187 = arith.constant 0 : i32
            %dma_wait3A_188 = tpu.memref_slice %arg8[%multiple_of3A_178, %dma_wait3A_187] : memref<32x128xi32, #tpu.memory_space<vmem>> -> memref<16x128xi32, #tpu.memory_space<vmem>>
            %dma_wait3A_189 = arith.constant 0 : i32
            %dma_wait3A_190 = tpu.memref_slice %arg4[%multiple_of3A, %dma_wait3A_189] : memref<2560x128xi32, #tpu.memory_space<hbm>> -> memref<16x128xi32, #tpu.memory_space<hbm>>
            %dma_wait3A_191 = arith.constant 0 : i32
            %dma_wait3A_192 = tpu.memref_slice %arg8[%multiple_of3A_178, %dma_wait3A_191] : memref<32x128xi32, #tpu.memory_space<vmem>> -> memref<16x128xi32, #tpu.memory_space<vmem>>
            %dma_wait3A_193 = arith.constant 0 : i32
            %dma_wait3A_194 = tpu.memref_slice %arg4[%multiple_of3A, %dma_wait3A_193] : memref<2560x128xi32, #tpu.memory_space<hbm>> -> memref<16x128xi32, #tpu.memory_space<hbm>>
            tpu.wait_dma2 semaphore(%run_scoped3A : memref<!tpu.dma_semaphore, #tpu.memory_space<semaphore_mem>>) src(%dma_wait3A_194 : memref<16x128xi32, #tpu.memory_space<hbm>>) dst(%dma_wait3A_192 : memref<16x128xi32, #tpu.memory_space<vmem>>)
            tpu.yield
          }) : () -> ()
        } else {
        }
        %add3A_87 = arith.constant 1 : i32
        %add3A_88 = arith.addi %scan3A_30, %add3A_87 : i32
        %lt3A_89 = arith.constant 160 : i32
        %lt3A_90 = arith.cmpi slt, %add3A_88, %lt3A_89 : i32
        %convert_element_type3A_91 = arith.extui %lt3A_90 : i1 to i32
        %cond3A_92 = arith.constant 0 : i32
        %cond3A_93 = arith.cmpi ne, %convert_element_type3A_91, %cond3A_92 : i32
        scf.if %cond3A_93 {
          %add3A_157 = arith.constant 1 : i32
          %add3A_158 = arith.addi %scan3A_30, %add3A_157 : i32
          %jit3A_159 = arith.constant 32 : i32
          %eq3A_160 = arith.constant 0 : i32
          %eq3A_161 = arith.cmpi eq, %jit3A_159, %eq3A_160 : i32
          %jit3A_162 = arith.constant 1 : i32
          %select_n3A_163 = arith.select %eq3A_161, %jit3A_162, %jit3A_159 : i32
          %rem3A_164 = arith.remsi %add3A_158, %select_n3A_163 : i32
          %ne3A_165 = arith.constant 0 : i32
          %ne3A_166 = arith.cmpi ne, %rem3A_164, %ne3A_165 : i32
          %lt3A_167 = arith.constant 0 : i32
          %lt3A_168 = arith.cmpi slt, %rem3A_164, %lt3A_167 : i32
          %lt3A_169 = arith.constant 0 : i32
          %lt3A_170 = arith.cmpi slt, %select_n3A_163, %lt3A_169 : i32
          %ne3A_171 = arith.xori %lt3A_168, %lt3A_170 : i1
          %and3A_172 = arith.andi %ne3A_171, %ne3A_166 : i1
          %add3A_173 = arith.addi %rem3A_164, %select_n3A_163 : i32
          %select_n3A_174 = arith.select %and3A_172, %add3A_173, %rem3A_164 : i32
          %dma_start3A_175 = arith.constant 0 : i32
          %dma_start3A_176 = arith.constant 0 : i32
          %dma_start3A_177 = tpu.memref_slice %arg9[%select_n3A_58, %dma_start3A_175, %dma_start3A_176] : memref<2x128x128xf32, #tpu.memory_space<vmem>> -> memref<1x128x128xf32, #tpu.memory_space<vmem>>
          %dma_start3A_178 = tpu.memref_squeeze %dma_start3A_177 : memref<1x128x128xf32, #tpu.memory_space<vmem>> -> memref<128x128xf32, #tpu.memory_space<vmem>>
          %dma_start3A_179 = arith.constant 0 : i32
          %dma_start3A_180 = tpu.memref_slice %arg7[%select_n3A_174, %dma_start3A_179] : memref<32x128xi32, #tpu.memory_space<vmem>> -> memref<1x128xi32, #tpu.memory_space<vmem>>
          %dma_start3A_181 = tpu.memref_squeeze %dma_start3A_180 : memref<1x128xi32, #tpu.memory_space<vmem>> -> memref<128xi32, #tpu.memory_space<vmem>>
          %dma_start3A_182 = arith.constant 0 : i32
          %dma_start3A_183 = arith.constant 0 : i32
          %dma_start3A_184 = tpu.memref_slice %arg2[%dma_start3A_182, %dma_start3A_183] : memref<10000x128xf32, #tpu.memory_space<hbm>> -> memref<10000x128xf32, #tpu.memory_space<hbm>>
          %dma_start3A_185 = tpu.memref_slice %arg11[%select_n3A_58] : memref<2x!tpu.dma_semaphore, #tpu.memory_space<semaphore_mem>> -> memref<1x!tpu.dma_semaphore, #tpu.memory_space<semaphore_mem>>
          %dma_start3A_186 = tpu.memref_squeeze %dma_start3A_185 : memref<1x!tpu.dma_semaphore, #tpu.memory_space<semaphore_mem>> -> memref<!tpu.dma_semaphore, #tpu.memory_space<semaphore_mem>>
          tpu.enqueue_indirect_dma source(%dma_start3A_184 : memref<10000x128xf32, #tpu.memory_space<hbm>>) target(%dma_start3A_178 : memref<128x128xf32, #tpu.memory_space<vmem>>) offsets(%dma_start3A_181 : memref<128xi32, #tpu.memory_space<vmem>>) semaphore(%dma_start3A_186 : memref<!tpu.dma_semaphore, #tpu.memory_space<semaphore_mem>>)
        } else {
        }
        %jit3A_94 = arith.constant 32 : i32
        %eq3A_95 = arith.constant 0 : i32
        %eq3A_96 = arith.cmpi eq, %jit3A_94, %eq3A_95 : i32
        %jit3A_97 = arith.constant 1 : i32
        %select_n3A_98 = arith.select %eq3A_96, %jit3A_97, %jit3A_94 : i32
        %rem3A_99 = arith.remsi %scan3A_30, %select_n3A_98 : i32
        %ne3A_100 = arith.constant 0 : i32
        %ne3A_101 = arith.cmpi ne, %rem3A_99, %ne3A_100 : i32
        %lt3A_102 = arith.constant 0 : i32
        %lt3A_103 = arith.cmpi slt, %rem3A_99, %lt3A_102 : i32
        %lt3A_104 = arith.constant 0 : i32
        %lt3A_105 = arith.cmpi slt, %select_n3A_98, %lt3A_104 : i32
        %ne3A_106 = arith.xori %lt3A_103, %lt3A_105 : i1
        %and3A_107 = arith.andi %ne3A_106, %ne3A_101 : i1
        %add3A_108 = arith.addi %rem3A_99, %select_n3A_98 : i32
        %select_n3A_109 = arith.select %and3A_107, %add3A_108, %rem3A_99 : i32
        %dma_wait3A = arith.constant 0 : i32
        %dma_wait3A_110 = arith.constant 0 : i32
        %dma_wait3A_111 = tpu.memref_slice %arg9[%select_n3A_40, %dma_wait3A, %dma_wait3A_110] : memref<2x128x128xf32, #tpu.memory_space<vmem>> -> memref<1x128x128xf32, #tpu.memory_space<vmem>>
        %dma_wait3A_112 = tpu.memref_squeeze %dma_wait3A_111 : memref<1x128x128xf32, #tpu.memory_space<vmem>> -> memref<128x128xf32, #tpu.memory_space<vmem>>
        %dma_wait3A_113 = arith.constant 0 : i32
        %dma_wait3A_114 = tpu.memref_slice %arg7[%select_n3A_109, %dma_wait3A_113] : memref<32x128xi32, #tpu.memory_space<vmem>> -> memref<1x128xi32, #tpu.memory_space<vmem>>
        %dma_wait3A_115 = tpu.memref_squeeze %dma_wait3A_114 : memref<1x128xi32, #tpu.memory_space<vmem>> -> memref<128xi32, #tpu.memory_space<vmem>>
        %dma_wait3A_116 = arith.constant 0 : i32
        %dma_wait3A_117 = arith.constant 0 : i32
        %dma_wait3A_118 = tpu.memref_slice %arg2[%dma_wait3A_116, %dma_wait3A_117] : memref<10000x128xf32, #tpu.memory_space<hbm>> -> memref<10000x128xf32, #tpu.memory_space<hbm>>
        %dma_wait3A_119 = tpu.memref_slice %arg11[%select_n3A_40] : memref<2x!tpu.dma_semaphore, #tpu.memory_space<semaphore_mem>> -> memref<1x!tpu.dma_semaphore, #tpu.memory_space<semaphore_mem>>
        %dma_wait3A_120 = tpu.memref_squeeze %dma_wait3A_119 : memref<1x!tpu.dma_semaphore, #tpu.memory_space<semaphore_mem>> -> memref<!tpu.dma_semaphore, #tpu.memory_space<semaphore_mem>>
        tpu.wait_indirect_dma semaphore(%dma_wait3A_120 : memref<!tpu.dma_semaphore, #tpu.memory_space<semaphore_mem>>) src(%dma_wait3A_118 : memref<10000x128xf32, #tpu.memory_space<hbm>>) dst(%dma_wait3A_112 : memref<128x128xf32, #tpu.memory_space<vmem>>)
        %jit3A_121 = arith.constant 32 : i32
        %eq3A_122 = arith.constant 0 : i32
        %eq3A_123 = arith.cmpi eq, %jit3A_121, %eq3A_122 : i32
        %jit3A_124 = arith.constant 1 : i32
        %select_n3A_125 = arith.select %eq3A_123, %jit3A_124, %jit3A_121 : i32
        %rem3A_126 = arith.remsi %scan3A_30, %select_n3A_125 : i32
        %ne3A_127 = arith.constant 0 : i32
        %ne3A_128 = arith.cmpi ne, %rem3A_126, %ne3A_127 : i32
        %lt3A_129 = arith.constant 0 : i32
        %lt3A_130 = arith.cmpi slt, %rem3A_126, %lt3A_129 : i32
        %lt3A_131 = arith.constant 0 : i32
        %lt3A_132 = arith.cmpi slt, %select_n3A_125, %lt3A_131 : i32
        %ne3A_133 = arith.xori %lt3A_130, %lt3A_132 : i1
        %and3A_134 = arith.andi %ne3A_133, %ne3A_128 : i1
        %add3A_135 = arith.addi %rem3A_126, %select_n3A_125 : i32
        %select_n3A_136 = arith.select %and3A_134, %add3A_135, %rem3A_126 : i32
        %dma_start3A_137 = arith.constant 0 : i32
        %dma_start3A_138 = arith.constant 0 : i32
        %dma_start3A_139 = tpu.memref_slice %arg9[%select_n3A_40, %dma_start3A_137, %dma_start3A_138] : memref<2x128x128xf32, #tpu.memory_space<vmem>> -> memref<1x128x128xf32, #tpu.memory_space<vmem>>
        %dma_start3A_140 = tpu.memref_squeeze %dma_start3A_139 : memref<1x128x128xf32, #tpu.memory_space<vmem>> -> memref<128x128xf32, #tpu.memory_space<vmem>>
        %dma_start3A_141 = arith.constant 0 : i32
        %dma_start3A_142 = tpu.memref_slice %arg8[%select_n3A_136, %dma_start3A_141] : memref<32x128xi32, #tpu.memory_space<vmem>> -> memref<1x128xi32, #tpu.memory_space<vmem>>
        %dma_start3A_143 = tpu.memref_squeeze %dma_start3A_142 : memref<1x128xi32, #tpu.memory_space<vmem>> -> memref<128xi32, #tpu.memory_space<vmem>>
        %dma_start3A_144 = arith.constant 0 : i32
        %dma_start3A_145 = arith.constant 0 : i32
        %dma_start3A_146 = tpu.memref_slice %arg10[%dma_start3A_144, %dma_start3A_145] : memref<10240x128xf32, #tpu.memory_space<vmem_shared>> -> memref<10240x128xf32, #tpu.memory_space<vmem_shared>>
        tpu.enqueue_indirect_dma source(%dma_start3A_140 : memref<128x128xf32, #tpu.memory_space<vmem>>) target(%dma_start3A_146 : memref<10240x128xf32, #tpu.memory_space<vmem_shared>>) offsets(%dma_start3A_143 : memref<128xi32, #tpu.memory_space<vmem>>) semaphore(%arg12 : memref<!tpu.dma_semaphore, #tpu.memory_space<semaphore_mem>>) {add = true}
        %dma_wait3A_147 = arith.constant 0 : i32
        %dma_wait3A_148 = arith.constant 0 : i32
        %dma_wait3A_149 = tpu.memref_slice %arg9[%select_n3A_40, %dma_wait3A_147, %dma_wait3A_148] : memref<2x128x128xf32, #tpu.memory_space<vmem>> -> memref<1x128x128xf32, #tpu.memory_space<vmem>>
        %dma_wait3A_150 = tpu.memref_squeeze %dma_wait3A_149 : memref<1x128x128xf32, #tpu.memory_space<vmem>> -> memref<128x128xf32, #tpu.memory_space<vmem>>
        %dma_wait3A_151 = arith.constant 0 : i32
        %dma_wait3A_152 = tpu.memref_slice %arg8[%select_n3A_136, %dma_wait3A_151] : memref<32x128xi32, #tpu.memory_space<vmem>> -> memref<1x128xi32, #tpu.memory_space<vmem>>
        %dma_wait3A_153 = tpu.memref_squeeze %dma_wait3A_152 : memref<1x128xi32, #tpu.memory_space<vmem>> -> memref<128xi32, #tpu.memory_space<vmem>>
        %dma_wait3A_154 = arith.constant 0 : i32
        %dma_wait3A_155 = arith.constant 0 : i32
        %dma_wait3A_156 = tpu.memref_slice %arg10[%dma_wait3A_154, %dma_wait3A_155] : memref<10240x128xf32, #tpu.memory_space<vmem_shared>> -> memref<10240x128xf32, #tpu.memory_space<vmem_shared>>
        tpu.wait_indirect_dma semaphore(%arg12 : memref<!tpu.dma_semaphore, #tpu.memory_space<semaphore_mem>>) src(%dma_wait3A_150 : memref<128x128xf32, #tpu.memory_space<vmem>>) dst(%dma_wait3A_156 : memref<10240x128xf32, #tpu.memory_space<vmem_shared>>)
      }
      %scan3A_24 = arith.constant 160 : i32
      %barrier3A_25 = arith.constant 0 : index
      tpu.barrier barrier_id(%barrier3A_25)
      %mul3A_26 = arith.constant 640 : i32
      %mul3A_27 = arith.muli %arg1, %mul3A_26 : i32
      %mul3A_28 = arith.constant 640 : i32
      %mul3A_29 = arith.muli %arg1, %mul3A_28 : i32
      "tpu.region"() ({
        %run_scoped3A = tpu.sem_alloc : memref<!tpu.dma_semaphore, #tpu.memory_space<semaphore_mem>>
        %dma_start3A_30 = arith.constant 0 : i32
        %dma_start3A_31 = tpu.memref_slice %arg6[%mul3A_29, %dma_start3A_30] : memref<10240x128xf32, #tpu.memory_space<hbm>> -> memref<640x128xf32, #tpu.memory_space<hbm>>
        %dma_start3A_32 = arith.constant 0 : i32
        %dma_start3A_33 = tpu.memref_slice %arg10[%mul3A_27, %dma_start3A_32] : memref<10240x128xf32, #tpu.memory_space<vmem_shared>> -> memref<640x128xf32, #tpu.memory_space<vmem_shared>>
        tpu.enqueue_dma source(%dma_start3A_33 : memref<640x128xf32, #tpu.memory_space<vmem_shared>>) target(%dma_start3A_31 : memref<640x128xf32, #tpu.memory_space<hbm>>) target_semaphore(%run_scoped3A : memref<!tpu.dma_semaphore, #tpu.memory_space<semaphore_mem>>)
        %dma_wait3A = arith.constant 0 : i32
        %dma_wait3A_34 = tpu.memref_slice %arg6[%mul3A_29, %dma_wait3A] : memref<10240x128xf32, #tpu.memory_space<hbm>> -> memref<640x128xf32, #tpu.memory_space<hbm>>
        %dma_wait3A_35 = arith.constant 0 : i32
        %dma_wait3A_36 = tpu.memref_slice %arg10[%mul3A_27, %dma_wait3A_35] : memref<10240x128xf32, #tpu.memory_space<vmem_shared>> -> memref<640x128xf32, #tpu.memory_space<vmem_shared>>
        tpu.wait_dma2 semaphore(%run_scoped3A : memref<!tpu.dma_semaphore, #tpu.memory_space<semaphore_mem>>) src(%dma_wait3A_36 : memref<640x128xf32, #tpu.memory_space<vmem_shared>>) dst(%dma_wait3A_34 : memref<640x128xf32, #tpu.memory_space<hbm>>)
        tpu.yield
      }) : () -> ()
    } else {
    }
    return
  }
}

module attributes {stable_mosaic.version = 14 : i64} {
  func.func @_matmul_body(%arg0: i32, %arg1: memref<400x128xf32, #tpu.memory_space<vmem>>, %arg2: memref<128x128xf32, #tpu.memory_space<vmem>>, %arg3: memref<400x1xf32, #tpu.memory_space<vmem>>, %arg4: memref<400x128xf32, #tpu.memory_space<vmem>>) attributes {dimension_semantics = [#tpu.dimension_semantics<arbitrary>], iteration_bounds = array<i64: 25>, scalar_prefetch = 0 : i64, scratch_operands = 0 : i64, tpu.core_type = #tpu.core_type<tc>, window_params = [{transform_indices = @transform_0, window_bounds = array<i64: 400, 128>}, {pipeline_mode = #tpu.pipeline_mode<synchronous>, transform_indices = @transform_1, window_bounds = array<i64: 128, 128>}, {transform_indices = @transform_2, window_bounds = array<i64: 400, 1>}, {transform_indices = @transform_3, window_bounds = array<i64: 400, 128>}]} {
    %get3A = arith.constant 0 : index
    %get3A_0 = arith.constant 0 : index
    %get3A_1 = vector.load %arg3[%get3A, %get3A_0] : memref<400x1xf32, #tpu.memory_space<vmem>>, vector<400x1xf32>
    %add3A = arith.constant 1.000000e+00 : f32
    %add3A_2 = vector.broadcast %add3A : f32 to vector<400x1xf32>
    %add3A_3 = arith.addf %get3A_1, %add3A_2 : vector<400x1xf32>
    %rsqrt3A = math.rsqrt %add3A_3 : vector<400x1xf32>
    %get3A_4 = arith.constant 0 : index
    %get3A_5 = arith.constant 0 : index
    %get3A_6 = vector.load %arg1[%get3A_4, %get3A_5] : memref<400x128xf32, #tpu.memory_space<vmem>>, vector<400x128xf32>
    %get3A_7 = arith.constant 0 : index
    %get3A_8 = arith.constant 0 : index
    %get3A_9 = vector.load %arg2[%get3A_7, %get3A_8] : memref<128x128xf32, #tpu.memory_space<vmem>>, vector<128x128xf32>
    %dot_general3A = arith.constant dense<0.000000e+00> : vector<400x128xf32>
    %dot_general3A_10 = tpu.matmul %get3A_6, %get3A_9, %dot_general3A {dimension_numbers = #tpu.dot_dimension_numbers<[1], [0], [0], [1], [0, 0, 1, 1], [], []>, transpose_lhs_hint = false} : vector<400x128xf32>, vector<128x128xf32>, vector<400x128xf32> -> vector<400x128xf32>
    %mul3A = vector.broadcast %rsqrt3A : vector<400x1xf32> to vector<400x128xf32>
    %mul3A_11 = arith.mulf %mul3A, %dot_general3A_10 : vector<400x128xf32>
    %swap3A = arith.constant 0 : index
    %swap3A_12 = arith.constant 0 : index
    %swap3A_13 = vector.load %arg4[%swap3A, %swap3A_12] : memref<400x128xf32, #tpu.memory_space<vmem>>, vector<400x128xf32>
    tpu.vector_store %arg4[%swap3A, %swap3A_12], %mul3A_11 {strides = array<i32>} : memref<400x128xf32, #tpu.memory_space<vmem>>, vector<400x128xf32>,
    return
  }
  func.func @transform_0(%arg0: i32) -> (i32, i32) {
    %c0_i32 = arith.constant 0 : i32
    %c0_i32_0 = arith.constant 0 : i32
    return %arg0, %c0_i32 : i32, i32
  }
  func.func @transform_1(%arg0: i32) -> (i32, i32) {
    %c0_i32 = arith.constant 0 : i32
    %c0_i32_0 = arith.constant 0 : i32
    %c0_i32_1 = arith.constant 0 : i32
    return %c0_i32, %c0_i32_0 : i32, i32
  }
  func.func @transform_2(%arg0: i32) -> (i32, i32) {
    %c0_i32 = arith.constant 0 : i32
    %c0_i32_0 = arith.constant 0 : i32
    return %arg0, %c0_i32 : i32, i32
  }
  func.func @transform_3(%arg0: i32) -> (i32, i32) {
    %c0_i32 = arith.constant 0 : i32
    %c0_i32_0 = arith.constant 0 : i32
    return %arg0, %c0_i32 : i32, i32
  }
}

module attributes {stable_mosaic.version = 14 : i64} {
  func.func @_combine_body(%arg0: i32, %arg1: memref<400x128xf32, #tpu.memory_space<vmem>>, %arg2: memref<400x128xf32, #tpu.memory_space<vmem>>, %arg3: memref<400x1xf32, #tpu.memory_space<vmem>>, %arg4: memref<1x128xf32, #tpu.memory_space<vmem>>, %arg5: memref<400x128xf32, #tpu.memory_space<vmem>>) attributes {dimension_semantics = [#tpu.dimension_semantics<arbitrary>], iteration_bounds = array<i64: 25>, scalar_prefetch = 0 : i64, scratch_operands = 0 : i64, tpu.core_type = #tpu.core_type<tc>, window_params = [{transform_indices = @transform_0, window_bounds = array<i64: 400, 128>}, {transform_indices = @transform_1, window_bounds = array<i64: 400, 128>}, {transform_indices = @transform_2, window_bounds = array<i64: 400, 1>}, {pipeline_mode = #tpu.pipeline_mode<synchronous>, transform_indices = @transform_3, window_bounds = array<i64: 1, 128>}, {transform_indices = @transform_4, window_bounds = array<i64: 400, 128>}]} {
    %get3A = arith.constant 0 : index
    %get3A_0 = arith.constant 0 : index
    %get3A_1 = vector.load %arg3[%get3A, %get3A_0] : memref<400x1xf32, #tpu.memory_space<vmem>>, vector<400x1xf32>
    %add3A = arith.constant 1.000000e+00 : f32
    %add3A_2 = vector.broadcast %add3A : f32 to vector<400x1xf32>
    %add3A_3 = arith.addf %get3A_1, %add3A_2 : vector<400x1xf32>
    %rsqrt3A = math.rsqrt %add3A_3 : vector<400x1xf32>
    %get3A_4 = arith.constant 0 : index
    %get3A_5 = arith.constant 0 : index
    %get3A_6 = vector.load %arg1[%get3A_4, %get3A_5] : memref<400x128xf32, #tpu.memory_space<vmem>>, vector<400x128xf32>
    %get3A_7 = arith.constant 0 : index
    %get3A_8 = arith.constant 0 : index
    %get3A_9 = vector.load %arg2[%get3A_7, %get3A_8] : memref<400x128xf32, #tpu.memory_space<vmem>>, vector<400x128xf32>
    %add3A_10 = arith.addf %get3A_6, %get3A_9 : vector<400x128xf32>
    %mul3A = vector.broadcast %rsqrt3A : vector<400x1xf32> to vector<400x128xf32>
    %mul3A_11 = arith.mulf %mul3A, %add3A_10 : vector<400x128xf32>
    %get3A_12 = arith.constant 0 : index
    %get3A_13 = arith.constant 0 : index
    %get3A_14 = vector.load %arg4[%get3A_12, %get3A_13] : memref<1x128xf32, #tpu.memory_space<vmem>>, vector<1x128xf32>
    %add3A_15 = vector.broadcast %get3A_14 : vector<1x128xf32> to vector<400x128xf32>
    %add3A_16 = arith.addf %mul3A_11, %add3A_15 : vector<400x128xf32>
    %swap3A = arith.constant 0 : index
    %swap3A_17 = arith.constant 0 : index
    %swap3A_18 = vector.load %arg5[%swap3A, %swap3A_17] : memref<400x128xf32, #tpu.memory_space<vmem>>, vector<400x128xf32>
    tpu.vector_store %arg5[%swap3A, %swap3A_17], %add3A_16 {strides = array<i32>} : memref<400x128xf32, #tpu.memory_space<vmem>>, vector<400x128xf32>,
    return
  }
  func.func @transform_0(%arg0: i32) -> (i32, i32) {
    %c0_i32 = arith.constant 0 : i32
    %c0_i32_0 = arith.constant 0 : i32
    return %arg0, %c0_i32 : i32, i32
  }
  func.func @transform_1(%arg0: i32) -> (i32, i32) {
    %c0_i32 = arith.constant 0 : i32
    %c0_i32_0 = arith.constant 0 : i32
    return %arg0, %c0_i32 : i32, i32
  }
  func.func @transform_2(%arg0: i32) -> (i32, i32) {
    %c0_i32 = arith.constant 0 : i32
    %c0_i32_0 = arith.constant 0 : i32
    return %arg0, %c0_i32 : i32, i32
  }
  func.func @transform_3(%arg0: i32) -> (i32, i32) {
    %c0_i32 = arith.constant 0 : i32
    %c0_i32_0 = arith.constant 0 : i32
    %c0_i32_1 = arith.constant 0 : i32
    return %c0_i32, %c0_i32_0 : i32, i32
  }
  func.func @transform_4(%arg0: i32) -> (i32, i32) {
    %c0_i32 = arith.constant 0 : i32
    %c0_i32_0 = arith.constant 0 : i32
    return %arg0, %c0_i32 : i32, i32
  }
}

</mosaic_0001>

<sc_bundles>
// kernel: kernel.6.cloned.1.call-start
scs
__scs_entry_jumppad:
0x0: {  	(pc) =	sbr.rel $0x88, $3  }
0x1: {  	(tag) =	ssettag $0x0;
	lr =	simm.s32 $0x1  }
0x2: {  	[smem:$0x3F9D] =	sst lr;
	_ =	strace $0xD0000000  }
0x3: {  	_ = 	snop  }
0x4: {  	_ = 	snop  }
0x5: {  	_ = 	snop  }
0x6: {  	_ = 	snop  }
0x7: {  	_ = 	snop  }
__scs_overlays_trampoline_lowered:
0x8: {  	[smem:$0x3FAC] =	sst s0  }
0x9: {  	[smem:$0x3FAD] =	sst s1  }
0xa: {  	[smem:$0x3FAE] =	sst s2  }
0xb: {  	[smem:$0x3FAF] =	sst s3  }
0xc: {  	[smem:$0x3FB0] =	sst s4  }
0xd: {  	[smem:$0x3FB1] =	sst s5  }
0xe: {  	[smem:$0x3FB2] =	sst s6  }
0xf: {  	[smem:$0x3FB3] =	sst s7  }
0x10: {  	[smem:$0x3FB4] =	sst s8  }
0x11: {  	[smem:$0x3FB5] =	sst s9;
	s0 =	simm.s32 @!p0 $0x0  }
0x12: {  	s1 =	sld [smem:$0x3F9B];
	s0 =	simm.s32 @p0 $0x1  }
0x13: {  	[smem:$0x3FB6] =	sst s0;
	s0 =	simm.s32 @!p1 $0x0  }
0x14: {  	s2 =	sld [smem:$0x3F9A];
	s0 =	simm.s32 @p1 $0x1  }
0x15: {  	[smem:$0x3FB7] =	sst s0;
	s0 =	simm.s32 @!p2 $0x0  }
0x16: {  	s3 =	sld [smem:$0x3FDB];
	s0 =	simm.s32 @p2 $0x1  }
0x17: {  	s4 =	simm.s32 $0x1BF5;
	[smem:$0x3FB9] =	sst s0  }
0x18: {  	s0 =	sld [smem:$0x3F9C];
	_ =	swait.ge [sflag:s4], $0x0  }
0x19: {  	s7 =	sld [smem:$0x3F9D]  }
0x1a: {  	s8 =	sadd.s32 $0xFFFFE003, lr  }
0x1b: {  	s9 =	sadd.s32 $0xFFFFFEF7, lr;
	s5 =	simm.s32 $0xFFFFFFFF;
	p2 =	slt.u32 s8, $0xFFFFF086  }
0x1c: {  	p1 =	slt.u32 s9, $0xF7A;
	s5 =	simm.s32 @!p2 $0x0  }
0x1d: {  	s5 =	simm.s32 @p1 $0x1;
	p0 =	seq.s32 s7, s2  }
0x1e: {  	s7 =	smul.u32 @!p0 $0xF7A, s2;
	p2 =	seq.s32 @!p0 s5, $0x0  }
0x1f: {  	s9 =	smul.u32 $0xF7A, s1;
	s8 =	simm.s32 @!p0 $0x1BF5;
	p2 =	por !p2, p0  }
0x20: {  	[sflag:s8] =	ssyncset.s32 @!p0 $0xFFFFF086;
	s6 =	sadd.s32 @!p0 s3, s7;
	s7 =	simm.s32 @!p0 $0x108  }
0x21: {  	s3 =	sadd.s32 s3, s9;
	s6 =	sadd.s32 @!p0 $0x88, s6;
	s7 =	simm.s32 @p2 $0x1082  }
0x22: {  	[simem:s7], [sflag:s8] =	dma.local @!p0 [hbm:s6], $0xF7A  }
0x23: {  	s9 =	sor.u32 $0xD0000000, s2;
	s6 =	simm.s32 $0x108;
	_ =	swait.ge @!p0 [sflag:s8], $0x0  }
0x24: {  	s3 =	sadd.s32 $0x88, s3;
	s6 =	simm.s32 @!p1 $0x1082;
	[sflag:s4] =	ssyncset.s32 $0xFFFFF086  }
0x25: {  	[simem:s6], [sflag:s4] =	dma.local [hbm:s3], $0xF7A  }
0x26: {  	[smem:$0x3F9D] =	sst s1;
	(tag) =	ssettag s2;
	_ =	strace s9  }
0x27: {  	s1 =	sld [smem:$0x3FAD]  }
0x28: {  	s2 =	sld [smem:$0x3FAE]  }
0x29: {  	s4 =	sld [smem:$0x3FB0]  }
0x2a: {  	p0 =	seq.s32 s5, $0x0;
	s5 =	sld [smem:$0x3FB1]  }
0x2b: {  	s6 =	sld [smem:$0x3FB2]  }
0x2c: {  	s7 =	sld [smem:$0x3FB3]  }
0x2d: {  	s3 =	simm.s32 $0x108;
	s8 =	sld [smem:$0x3FB4]  }
0x2e: {  	s3 =	simm.s32 @!p0 $0x1082;
	s9 =	sld [smem:$0x3FB5]  }
0x2f: {  	lr =	sadd.s32 s0, s3;
	s0 =	sld [smem:$0x3FAC]  }
0x30: {  	s3 =	sld [smem:$0x3FAF]  }
0x31: {  	[smem:$0x3FB8] =	sst s10  }
0x32: {  	s10 =	sld [smem:$0x3FB6];
	_ =	sdelay $0x3  }
0x33: {  	p0 =	seq.s32 s10, $0x1;
	s10 =	sld [smem:$0x3FB8];
	_ =	sdelay $0x3  }
0x34: {  	[smem:$0x3FB8] =	sst s10  }
0x35: {  	s10 =	sld [smem:$0x3FB7];
	_ =	sdelay $0x3  }
0x36: {  	p1 =	seq.s32 s10, $0x1;
	s10 =	sld [smem:$0x3FB8];
	_ =	sdelay $0x3  }
0x37: {  	[smem:$0x3FB8] =	sst s10  }
0x38: {  	s10 =	sld [smem:$0x3FB9]  }
0x39: {  	_ = 	snop;
	(pc) =	sbr.ind lr, $3  }
0x3a: {  	_ = 	snop  }
0x3b: {  	_ = 	snop  }
0x3c: {  	p2 =	seq.s32 s10, $0x1;
	s10 =	sld [smem:$0x3FB8]  }
0x3d: {  	_ =	shalt  }
0x3e: {  	_ =	shalt  }
0x3f: {  	_ =	shalt  }
0x40: {  	_ =	shalt  }
0x41: {  	_ =	shalt  }
0x42: {  	_ =	shalt  }
0x43: {  	_ =	shalt  }
0x44: {  	_ =	shalt  }
0x45: {  	_ =	shalt  }
0x46: {  	_ =	shalt  }
0x47: {  	_ =	shalt  }
0x48: {  	_ =	shalt  }
0x49: {  	_ =	shalt  }
0x4a: {  	_ =	shalt  }
0x4b: {  	_ =	shalt  }
0x4c: {  	_ =	shalt  }
0x4d: {  	_ =	shalt  }
0x4e: {  	_ =	shalt  }
0x4f: {  	_ =	shalt  }
0x50: {  	_ =	shalt  }
0x51: {  	_ =	shalt  }
0x52: {  	_ =	shalt  }
0x53: {  	_ =	shalt  }
0x54: {  	_ =	shalt  }
0x55: {  	_ =	shalt  }
0x56: {  	_ =	shalt  }
0x57: {  	_ =	shalt  }
0x58: {  	_ =	shalt  }
0x59: {  	_ =	shalt  }
0x5a: {  	_ =	shalt  }
0x5b: {  	_ =	shalt  }
0x5c: {  	_ =	shalt  }
0x5d: {  	_ =	shalt  }
0x5e: {  	_ =	shalt  }
0x5f: {  	_ =	shalt  }
0x60: {  	_ =	shalt  }
0x61: {  	_ =	shalt  }
0x62: {  	_ =	shalt  }
0x63: {  	_ =	shalt  }
0x64: {  	_ =	shalt  }
0x65: {  	_ =	shalt  }
0x66: {  	_ =	shalt  }
0x67: {  	_ =	shalt  }
0x68: {  	_ =	shalt  }
0x69: {  	_ =	shalt  }
0x6a: {  	_ =	shalt  }
0x6b: {  	_ =	shalt  }
0x6c: {  	_ =	shalt  }
0x6d: {  	_ =	shalt  }
0x6e: {  	_ =	shalt  }
0x6f: {  	_ =	shalt  }
0x70: {  	_ =	shalt  }
0x71: {  	_ =	shalt  }
0x72: {  	_ =	shalt  }
0x73: {  	_ =	shalt  }
0x74: {  	_ =	shalt  }
0x75: {  	_ =	shalt  }
0x76: {  	_ =	shalt  }
0x77: {  	_ =	shalt  }
0x78: {  	_ =	shalt  }
0x79: {  	_ =	shalt  }
0x7a: {  	_ =	shalt  }
0x7b: {  	_ =	shalt  }
0x7c: {  	_ =	shalt  }
0x7d: {  	_ =	shalt  }
0x7e: {  	_ =	shalt  }
0x7f: {  	_ =	shalt  }
0x80: {  	_ =	shalt  }
0x81: {  	_ =	shalt  }
0x82: {  	_ =	shalt  }
0x83: {  	_ =	shalt  }
0x84: {  	_ =	shalt  }
0x85: {  	_ =	shalt  }
0x86: {  	_ =	shalt  }
0x87: {  	_ =	shalt  }
.Lfunc_end0:
.L_simem_size_0:
called_computation_lowered:
.L_overlay_start_0:
0x88: {  	s2 =	sld [smem:$0x3FD9]  }
0x89: {  	s3 =	sld [smem:$0x3FFE];
	_ =	sdelay $0x1  }
0x8a: {  	s1 =	srdreg.scid  }
0x8b: {  	s0 =	sand.u32 $0x1, s1  }
0x8c: {  	s17 =	sshll.u32 s0, $0xA;
	s2 =	sadd.s32 s3, s2  }
0x8d: {  	s2 =	sadd.s32 s2, s17  }
0x8e: {  	[smem:$0x3FC4] =	sst s2  }
0x8f: {  	_ = 	snop  }
0x90: {  	s2 =	sld [smem:$0x3FD0];
	(tm) =	ssettm $0x1  }
0x91: {  	s18 =	sld [smem:$0x3FFB];
	_ =	sdelay $0x3  }
0x92: {  	_ =	strace s18  }
0x93: {  	s3 =	sld [smem:$0x3FFC];
	_ =	sdelay $0x3  }
0x94: {  	_ =	strace s3  }
0x95: {  	s3 =	sld [smem:$0x3FFD];
	_ =	sdelay $0x3  }
0x96: {  	_ =	strace s3  }
0x97: {  	_ =	strace $0x8FFFFFFF  }
0x98: {  	s19 =	sld [smem:$0x3FDB];
	_ =	sdelay $0x1  }
0x99: {  	s4 =	simm.s32 $_scs_section_size  }
0x9a: {  	s5 =	simm.s32 $_size__tile_overlayer_lowered;
	s6 =	simm.s32 $_tile_overlayer_lowered  }
0x9b: {  	s22 =	simm.s32 $0x1BFF;
	s21 =	sshll.u32 s6, $0x1;
	s3 =	sadd.s32 s4, s19  }
0x9c: {  	s7 =	simm.s32 $0x0;
	s20 =	sshll.u32 s5, $0x1;
	s5 =	sadd.s32 s21, s3  }
0x9d: {  	[timem:s7], [sflag:s22] =	dma.local [hbm:s5], s20  }
0x9e: {  	_ =	swait.ge [sflag:s22], s20  }
0x9f: {  	s4 =	ssub.s32 $0x0, s20;
	[sflag:s22] =	ssyncset.done $0x0  }
0xa0: {  	[sflag:s22] =	ssyncadd.s32 s4;
	_ =	sdelay $0x1  }
0xa1: {  	s23 =	simm.s32 $0x1B8B  }
0xa2: {  	_ =	swait.ge [sflag:s23], $0x1  }
0xa3: {  	[sflag:s23] =	ssyncset.done $0x0  }
0xa4: {  	s25 =	simm.s32 $0x1B8E;
	s24 =	sld [smem:$0x3FFE];
	[sflag:s23] =	ssyncadd.s32 $0xFFFFFFFF  }
0xa5: {  	s26 =	simm.s32 $execute0_lowered;
	[smem:$0x3FD2] =	sst s25  }
0xa6: {  	s5 =	sshll.u32 s26, $0x1;
	_ =	strace $0x80000046;
	[dreg:$0x1] =	wrdreg $0xFFFFFFFF  }
0xa7: {  	s28 =	simm.s32 $_size_execute0_lowered;
	s3 =	sadd.s32 s3, s5;
	[dreg:$0x0] =	wrdreg $0x0  }
0xa8: {  	s5 =	sshll.u32 s28, $0x1;
	[dreg:$0x2] =	wrdreg s3  }
0xa9: {  	[dreg:$0x3] =	wrdreg s5  }
0xaa: {  	[dreg:$0x4] =	wrdreg $0xC0  }
0xab: {  	_ =	task [dreg:s7], $0x5FFFF  }
0xac: {  	[dreg:$0x1] =	wrdreg $0xFFFFFFFF  }
0xad: {  	[dreg:$0x0] =	wrdreg $0x60  }
0xae: {  	[dreg:$0x2] =	wrdreg s24  }
0xaf: {  	[dreg:$0x3] =	wrdreg s2  }
0xb0: {  	[dreg:$0x4] =	wrdreg $0x90800  }
0xb1: {  	[dreg:$0x5] =	wrdreg $0x9  }
0xb2: {  	_ =	task.clear_ibuf [dreg:s7], $0x6FFFF;
	_ =	strace $0x90000046  }
0xb3: {  	s29 =	simm.s32 $0x9;
	_ =	strace $0x80000048  }
0xb4: {  	_ =	swait.ge [sflag:s29], $0x1  }
0xb5: {  	[sflag:s29] =	ssyncadd.s32 $0xFFFFFFFF  }
0xb6: {  	_ =	strace $0x90000048  }
0xb7: {  	_ =	sfence  }
0xb8: {  	s30 =	sld [smem:$0x0];
	_ =	sdelay $0x2  }
0xb9: {  	s31 =	sshll.u32 s1, $0xD;
	s1 =	sshrl.u32 s1, $0x2  }
0xba: {  	s3 =	sand.u32 $0x4000, s31;
	s1 =	sadd.s32 s1, s30  }
0xbb: {  	s0 =	sor.u32 s3, s0;
	s1 =	sshll.u32 s1, $0x11  }
0xbc: {  	s0 =	sor.u32 s1, s0  }
0xbd: {  	s0 =	sadd.s32 $0x8F2B, s0  }
0xbe: {  	[sflag:s0] =	ssyncadd.remote.s32 $0x1  }
0xbf: {  	_ =	sfence.sel $0xFFFF  }
0xc0: {  	[dreg:$0x0] =	wrdreg $0xFFFFFFFF;
	(pc) =	sbr.abs _section_cstart, $3  }
0xc1: {  	[dreg:$0x1] =	wrdreg $0xFFFFFFFF  }
0xc2: {  	_ =	task.clear_ibuf [dreg:s7], $0x2FFFF;
	_ =	strace $0x9FFFFFFF  }
0xc3: {  	(tm) =	ssettm $0x7FFFFFFF  }
tec
execute0_lowered:
.L_overlay_start_1:
0x0: {  	(tag) =	ssettag $0x1  }
0x1: {  	s1 =	srdreg.scid  }
0x2: {  	s1 =	sand.u32 $0x1, s1  }
0x3: {  	p0 =	seq.s32 s1, $0x1  }
.Ltmp0:
0x4: {  	s4 =	rddreg [dreg:$0x0];
	(pc) =	sbr.rel @p0 .LBB2_4-.Ltmp0, $4  }
0x5: {  	s6 =	rddreg [dreg:$0x1]  }
0x6: {  	s2 =	rddreg [dreg:$0x2];
	s7 =	simm.s32 $0x0  }
0x7: {  	[smem:$0x7FF] =	sst s7  }
0x8: {  	s0 =	rddreg [dreg:$0x3];
	_ =	strace $0x80000047;
	s1 =	stileid.u32  }
0x9: {  	s3 =	smul.u32 $0xA00, s1  }
0xa: {  	s5 =	sadd.s32 $0xBA00, s4  }
0xb: {  	s8 =	simm.s32 $0x1;
	s3 =	sadd.s32 s5, s3  }
0xc: {  	[tilespmem:s7], [sflag:$0x1] =	stream.linear.gather [hbm4b:s3+s7], $0x5000, $0x38;
	[tilespmem:$0x9480] =	vst v63  }
0xd: {  	_ =	swait.ge [sflag:s8], $0x5000  }
0xe: {  	[sflag:s8] =	ssyncset.done $0x0  }
0xf: {  	s3 =	simm.s32 $0x5000;
	[sflag:s8] =	ssyncadd.s32 $0xFFFFB000  }
0x10: {  	[tilespmem:s3], [sflag:$0x1] =	stream.linear.gather [hbm4b:s6+s7], $0x4000, $0x38;
	[tilespmem:$0x9480] =	vst v63  }
0x11: {  	_ =	swait.ge [sflag:s8], $0x4000  }
0x12: {  	s24 =	sadd.s32 $0x15A00, s4;
	[sflag:s8] =	ssyncset.done $0x0  }
0x13: {  	s9 =	sshll.u32 s1, $0x7;
	s10 =	simm.s32 $0x9000;
	[sflag:s8] =	ssyncadd.s32 $0xFFFFC000  }
0x14: {  	[tilespmem:s10], [sflag:$0x1] =	stream.linear.gather [hbm4b:s24+s7], $0x80, $0x38;
	[tilespmem:$0x9480] =	vst v63  }
0x15: {  	s25 =	sshll.u32 s1, $0xA;
	s28 =	sshll.u32 s1, $0x6;
	_ =	swait.ge [sflag:s8], $0x80  }
0x16: {  	s9 =	sadd.s32 s9, s4;
	s26 =	sadd.s32 s25, s2;
	[sflag:s8] =	ssyncset.done $0x0  }
0x17: {  	s4 =	sor.u32 $0x1C01, s28;
	s5 =	sshrl.u32 s26, $0x3;
	[sflag:s8] =	ssyncadd.s32 $0xFFFFFF80  }
0x18: {  	[spmem:s5], [sflag:s4] =	dma.local [hbm:s6], $0x80  }
0x19: {  	s29 =	sand.u32 $0x1FE00, s7;
	s30 =	sand.u32 $0x70, s7;
	_ =	swait.ge [sflag:s8], $0x80  }
0x1a: {  	s6 =	sadd.s32 $0x15C00, s9;
	s9 =	sshrl.u32 s29, $0x2;
	[sflag:s8] =	ssyncset.done $0x0  }
0x1b: {  	s7 =	sor.u32 s30, s9;
	[sflag:s8] =	ssyncadd.s32 $0xFFFFFF80  }
0x1c: {  	v1 =	vld [tilespmem:s7+$0x0];
	_ =	sdelay $0x4  }
0x1d: {  	s31 =	simm.s32 $0x40  }
0x1e: {  	v0 =	vimm.f32 $1.000000000e+00;
	s9 =	sand.u32 $0x1FE00, s31;
	s8 =	simm.s32 $0x80;
	s7 =	simm.s32 $0x10  }
.LBB2_2:
0x1f: {  	p0 =	sne.s32 s8, $0x13FC0;
	s10 =	sand.u32 $0x70, s7;
	s9 =	sshrl.u32 s9, $0x2  }
0x20: {  	s9 =	sor.u32 s10, s9;
	[tilespmem:v1+s3+$0x0] =	vst.idx.add.f32.msk $0xffff, v0  }
0x21: {  	v1 =	vld [tilespmem:s9+$0x0];
	_ =	sdelay $0x1  }
.Ltmp1:
0x22: {  	(pc) =	sbr.rel @p0 .LBB2_2-.Ltmp1, $2  }
0x23: {  	_ =	sdelay $0x2  }
0x24: {  	s7 =	sadd.s32 $0x10, s7;
	s9 =	sand.u32 $0x1FE00, s8;
	s8 =	sadd.s32 $0x40, s8  }
0x25: {  	_ =	sdelay $0x2  }
0x26: {  	s7 =	sand.u32 $0x70, s7;
	s8 =	sshrl.u32 s9, $0x2  }
0x27: {  	[tilespmem:v1+s3+$0x0] =	vst.idx.add.f32.msk $0xffff, v0;
	s7 =	sor.u32 s7, s8  }
0x28: {  	v1 =	vld [tilespmem:s7+$0x0];
	_ =	sdelay $0x7  }
0x29: {  	s28 =	simm.s32 $0x80;
	s29 =	simm.s32 $0x9000;
	[tilespmem:v1+s3+$0x0] =	vst.idx.add.f32.msk $0xffff, v0  }
0x2a: {  	s30 =	simm.s32 $0x5000;
	s31 =	simm.s32 $0x1;
	[bflag:$0x0] =	sbarrier.arrive $0xFFFF  }
0x2b: {  	[spmem:s2] =	stream.indirect.scatter.add.f32 [tilespmem:s30], [sflag:$0x1], $0x80, s29, s28, $0xb8;
	[tilespmem:$0x9480] =	vst v63  }
0x2c: {  	_ =	swait.ge [sflag:s31], $0x4000  }
0x2d: {  	[sflag:s31] =	ssyncset.done $0x0  }
0x2e: {  	[sflag:s31] =	ssyncadd.s32 $0xFFFFC000  }
0x2f: {  	[bflag:$0x0] =	sbarrier.arrive $0xFFFF  }
0x30: {  	[hbm:s6], [sflag:s4] =	dma.local [spmem:s5], $0x80  }
0x31: {  	_ =	swait.ge [sflag:s31], $0x80  }
0x32: {  	[sflag:s31] =	ssyncset.done $0x0  }
0x33: {  	[sflag:s31] =	ssyncadd.s32 $0xFFFFFF80  }
.LBB2_4:
0x34: {  	_ =	sfence.sel $0x180000  }
0x35: {  	[bflag:$0x0] =	sbarrier.arrive $0xFFFF  }
0x36: {  	p0 =	sne.s32 s1, $0x0;
	_ =	strace $0x90000047  }
0x37: {  	s0 =	sadd.s32 @!p0 $0x100000, s0;
	[bflag:$0x2] =	sbarrier.arrive $0xFFFF  }
0x38: {  	[sflag:s0] =	ssyncadd.tile.s32 @!p0 $0x1;
	_ =	shalt  }
.Lfunc_end2:
_tile_overlayer_lowered:
.L_overlay_start_2:
0x39: {  	(tag) =	ssettag $0x2  }
0x3a: {  	s0 =	rddreg [dreg:$0x0];
	s2 =	stileid.u32  }
0x3b: {  	s1 =	rddreg [dreg:$0x1];
	p0 =	sne.s32 s2, $0x0  }
0x3c: {  	s3 =	rddreg [dreg:$0x2];
	[bflag:$0x3] =	sbarrier.arrive $0xFFFF;
	s2 =	simm.s32 @!p0 $0x1C01  }
0x3d: {  	[timem:s3], [sflag:s2] =	dma.local @!p0 [hbm:s0], s1  }
0x3e: {  	s0 =	simm.s32 @!p0 $0x1  }
0x3f: {  	_ =	swait.ge @!p0 [sflag:s0], s1  }
0x40: {  	s1 =	ssub.s32 @!p0 $0x0, s1;
	[sflag:s0] =	ssyncset.done @!p0 $0x0  }
0x41: {  	[sflag:s0] =	ssyncadd.s32 @!p0 s1  }
0x42: {  	[bflag:$0x3] =	sbarrier.arrive $0xFFFF  }
0x43: {  	_ =	shalt  }

// kernel: kernel.9.cloned.1.call-start
scs
__scs_entry_jumppad:
0x0: {  	(pc) =	sbr.rel $0x88, $3  }
0x1: {  	(tag) =	ssettag $0x0;
	lr =	simm.s32 $0x1  }
0x2: {  	[smem:$0x3F9D] =	sst lr;
	_ =	strace $0xD0000000  }
0x3: {  	_ = 	snop  }
0x4: {  	_ = 	snop  }
0x5: {  	_ = 	snop  }
0x6: {  	_ = 	snop  }
0x7: {  	_ = 	snop  }
__scs_overlays_trampoline_lowered:
0x8: {  	[smem:$0x3FAC] =	sst s0  }
0x9: {  	[smem:$0x3FAD] =	sst s1  }
0xa: {  	[smem:$0x3FAE] =	sst s2  }
0xb: {  	[smem:$0x3FAF] =	sst s3  }
0xc: {  	[smem:$0x3FB0] =	sst s4  }
0xd: {  	[smem:$0x3FB1] =	sst s5  }
0xe: {  	[smem:$0x3FB2] =	sst s6  }
0xf: {  	[smem:$0x3FB3] =	sst s7  }
0x10: {  	[smem:$0x3FB4] =	sst s8  }
0x11: {  	[smem:$0x3FB5] =	sst s9;
	s0 =	simm.s32 @!p0 $0x0  }
0x12: {  	s1 =	sld [smem:$0x3F9B];
	s0 =	simm.s32 @p0 $0x1  }
0x13: {  	[smem:$0x3FB6] =	sst s0;
	s0 =	simm.s32 @!p1 $0x0  }
0x14: {  	s2 =	sld [smem:$0x3F9A];
	s0 =	simm.s32 @p1 $0x1  }
0x15: {  	[smem:$0x3FB7] =	sst s0;
	s0 =	simm.s32 @!p2 $0x0  }
0x16: {  	s3 =	sld [smem:$0x3FDB];
	s0 =	simm.s32 @p2 $0x1  }
0x17: {  	s4 =	simm.s32 $0x1BF5;
	[smem:$0x3FB9] =	sst s0  }
0x18: {  	s0 =	sld [smem:$0x3F9C];
	_ =	swait.ge [sflag:s4], $0x0  }
0x19: {  	s7 =	sld [smem:$0x3F9D]  }
0x1a: {  	s8 =	sadd.s32 $0xFFFFE003, lr  }
0x1b: {  	s9 =	sadd.s32 $0xFFFFFEF7, lr;
	s5 =	simm.s32 $0xFFFFFFFF;
	p2 =	slt.u32 s8, $0xFFFFF086  }
0x1c: {  	p1 =	slt.u32 s9, $0xF7A;
	s5 =	simm.s32 @!p2 $0x0  }
0x1d: {  	s5 =	simm.s32 @p1 $0x1;
	p0 =	seq.s32 s7, s2  }
0x1e: {  	s7 =	smul.u32 @!p0 $0xF7A, s2;
	p2 =	seq.s32 @!p0 s5, $0x0  }
0x1f: {  	s9 =	smul.u32 $0xF7A, s1;
	s8 =	simm.s32 @!p0 $0x1BF5;
	p2 =	por !p2, p0  }
0x20: {  	[sflag:s8] =	ssyncset.s32 @!p0 $0xFFFFF086;
	s6 =	sadd.s32 @!p0 s3, s7;
	s7 =	simm.s32 @!p0 $0x108  }
0x21: {  	s3 =	sadd.s32 s3, s9;
	s6 =	sadd.s32 @!p0 $0x88, s6;
	s7 =	simm.s32 @p2 $0x1082  }
0x22: {  	[simem:s7], [sflag:s8] =	dma.local @!p0 [hbm:s6], $0xF7A  }
0x23: {  	s9 =	sor.u32 $0xD0000000, s2;
	s6 =	simm.s32 $0x108;
	_ =	swait.ge @!p0 [sflag:s8], $0x0  }
0x24: {  	s3 =	sadd.s32 $0x88, s3;
	s6 =	simm.s32 @!p1 $0x1082;
	[sflag:s4] =	ssyncset.s32 $0xFFFFF086  }
0x25: {  	[simem:s6], [sflag:s4] =	dma.local [hbm:s3], $0xF7A  }
0x26: {  	[smem:$0x3F9D] =	sst s1;
	(tag) =	ssettag s2;
	_ =	strace s9  }
0x27: {  	s1 =	sld [smem:$0x3FAD]  }
0x28: {  	s2 =	sld [smem:$0x3FAE]  }
0x29: {  	s4 =	sld [smem:$0x3FB0]  }
0x2a: {  	p0 =	seq.s32 s5, $0x0;
	s5 =	sld [smem:$0x3FB1]  }
0x2b: {  	s6 =	sld [smem:$0x3FB2]  }
0x2c: {  	s7 =	sld [smem:$0x3FB3]  }
0x2d: {  	s3 =	simm.s32 $0x108;
	s8 =	sld [smem:$0x3FB4]  }
0x2e: {  	s3 =	simm.s32 @!p0 $0x1082;
	s9 =	sld [smem:$0x3FB5]  }
0x2f: {  	lr =	sadd.s32 s0, s3;
	s0 =	sld [smem:$0x3FAC]  }
0x30: {  	s3 =	sld [smem:$0x3FAF]  }
0x31: {  	[smem:$0x3FB8] =	sst s10  }
0x32: {  	s10 =	sld [smem:$0x3FB6];
	_ =	sdelay $0x3  }
0x33: {  	p0 =	seq.s32 s10, $0x1;
	s10 =	sld [smem:$0x3FB8];
	_ =	sdelay $0x3  }
0x34: {  	[smem:$0x3FB8] =	sst s10  }
0x35: {  	s10 =	sld [smem:$0x3FB7];
	_ =	sdelay $0x3  }
0x36: {  	p1 =	seq.s32 s10, $0x1;
	s10 =	sld [smem:$0x3FB8];
	_ =	sdelay $0x3  }
0x37: {  	[smem:$0x3FB8] =	sst s10  }
0x38: {  	s10 =	sld [smem:$0x3FB9]  }
0x39: {  	_ = 	snop;
	(pc) =	sbr.ind lr, $3  }
0x3a: {  	_ = 	snop  }
0x3b: {  	_ = 	snop  }
0x3c: {  	p2 =	seq.s32 s10, $0x1;
	s10 =	sld [smem:$0x3FB8]  }
0x3d: {  	_ =	shalt  }
0x3e: {  	_ =	shalt  }
0x3f: {  	_ =	shalt  }
0x40: {  	_ =	shalt  }
0x41: {  	_ =	shalt  }
0x42: {  	_ =	shalt  }
0x43: {  	_ =	shalt  }
0x44: {  	_ =	shalt  }
0x45: {  	_ =	shalt  }
0x46: {  	_ =	shalt  }
0x47: {  	_ =	shalt  }
0x48: {  	_ =	shalt  }
0x49: {  	_ =	shalt  }
0x4a: {  	_ =	shalt  }
0x4b: {  	_ =	shalt  }
0x4c: {  	_ =	shalt  }
0x4d: {  	_ =	shalt  }
0x4e: {  	_ =	shalt  }
0x4f: {  	_ =	shalt  }
0x50: {  	_ =	shalt  }
0x51: {  	_ =	shalt  }
0x52: {  	_ =	shalt  }
0x53: {  	_ =	shalt  }
0x54: {  	_ =	shalt  }
0x55: {  	_ =	shalt  }
0x56: {  	_ =	shalt  }
0x57: {  	_ =	shalt  }
0x58: {  	_ =	shalt  }
0x59: {  	_ =	shalt  }
0x5a: {  	_ =	shalt  }
0x5b: {  	_ =	shalt  }
0x5c: {  	_ =	shalt  }
0x5d: {  	_ =	shalt  }
0x5e: {  	_ =	shalt  }
0x5f: {  	_ =	shalt  }
0x60: {  	_ =	shalt  }
0x61: {  	_ =	shalt  }
0x62: {  	_ =	shalt  }
0x63: {  	_ =	shalt  }
0x64: {  	_ =	shalt  }
0x65: {  	_ =	shalt  }
0x66: {  	_ =	shalt  }
0x67: {  	_ =	shalt  }
0x68: {  	_ =	shalt  }
0x69: {  	_ =	shalt  }
0x6a: {  	_ =	shalt  }
0x6b: {  	_ =	shalt  }
0x6c: {  	_ =	shalt  }
0x6d: {  	_ =	shalt  }
0x6e: {  	_ =	shalt  }
0x6f: {  	_ =	shalt  }
0x70: {  	_ =	shalt  }
0x71: {  	_ =	shalt  }
0x72: {  	_ =	shalt  }
0x73: {  	_ =	shalt  }
0x74: {  	_ =	shalt  }
0x75: {  	_ =	shalt  }
0x76: {  	_ =	shalt  }
0x77: {  	_ =	shalt  }
0x78: {  	_ =	shalt  }
0x79: {  	_ =	shalt  }
0x7a: {  	_ =	shalt  }
0x7b: {  	_ =	shalt  }
0x7c: {  	_ =	shalt  }
0x7d: {  	_ =	shalt  }
0x7e: {  	_ =	shalt  }
0x7f: {  	_ =	shalt  }
0x80: {  	_ =	shalt  }
0x81: {  	_ =	shalt  }
0x82: {  	_ =	shalt  }
0x83: {  	_ =	shalt  }
0x84: {  	_ =	shalt  }
0x85: {  	_ =	shalt  }
0x86: {  	_ =	shalt  }
0x87: {  	_ =	shalt  }
.Lfunc_end0:
.L_simem_size_0:
called_computation.1_lowered:
.L_overlay_start_0:
0x88: {  	s2 =	sld [smem:$0x3FD9]  }
0x89: {  	s3 =	sld [smem:$0x3FFE];
	_ =	sdelay $0x1  }
0x8a: {  	s1 =	srdreg.scid  }
0x8b: {  	s0 =	sand.u32 $0x1, s1  }
0x8c: {  	s17 =	sshll.u32 s0, $0xA;
	s2 =	sadd.s32 s3, s2  }
0x8d: {  	s2 =	sadd.s32 s2, s17  }
0x8e: {  	[smem:$0x3FC4] =	sst s2  }
0x8f: {  	_ = 	snop  }
0x90: {  	s2 =	sld [smem:$0x3FD0];
	(tm) =	ssettm $0x1  }
0x91: {  	s18 =	sld [smem:$0x3FFB];
	_ =	sdelay $0x3  }
0x92: {  	_ =	strace s18  }
0x93: {  	s3 =	sld [smem:$0x3FFC];
	_ =	sdelay $0x3  }
0x94: {  	_ =	strace s3  }
0x95: {  	s3 =	sld [smem:$0x3FFD];
	_ =	sdelay $0x3  }
0x96: {  	_ =	strace s3  }
0x97: {  	_ =	strace $0x8FFFFFFF  }
0x98: {  	s19 =	sld [smem:$0x3FDB];
	_ =	sdelay $0x1  }
0x99: {  	s4 =	simm.s32 $_scs_section_size  }
0x9a: {  	s5 =	simm.s32 $_size__tile_overlayer_lowered;
	s6 =	simm.s32 $_tile_overlayer_lowered  }
0x9b: {  	s22 =	simm.s32 $0x1BFF;
	s21 =	sshll.u32 s6, $0x1;
	s3 =	sadd.s32 s4, s19  }
0x9c: {  	s7 =	simm.s32 $0x0;
	s20 =	sshll.u32 s5, $0x1;
	s5 =	sadd.s32 s21, s3  }
0x9d: {  	[timem:s7], [sflag:s22] =	dma.local [hbm:s5], s20  }
0x9e: {  	_ =	swait.ge [sflag:s22], s20  }
0x9f: {  	s4 =	ssub.s32 $0x0, s20;
	[sflag:s22] =	ssyncset.done $0x0  }
0xa0: {  	[sflag:s22] =	ssyncadd.s32 s4;
	_ =	sdelay $0x1  }
0xa1: {  	s23 =	simm.s32 $0x1B8B  }
0xa2: {  	_ =	swait.ge [sflag:s23], $0x1  }
0xa3: {  	[sflag:s23] =	ssyncset.done $0x0  }
0xa4: {  	s25 =	simm.s32 $0x1B8E;
	s24 =	sld [smem:$0x3FFE];
	[sflag:s23] =	ssyncadd.s32 $0xFFFFFFFF  }
0xa5: {  	s26 =	simm.s32 $execute0_lowered;
	[smem:$0x3FD2] =	sst s25  }
0xa6: {  	s5 =	sshll.u32 s26, $0x1;
	_ =	strace $0x80000049;
	[dreg:$0x1] =	wrdreg $0xFFFFFFFF  }
0xa7: {  	s28 =	simm.s32 $_size_execute0_lowered;
	s3 =	sadd.s32 s3, s5;
	[dreg:$0x0] =	wrdreg $0x0  }
0xa8: {  	s5 =	sshll.u32 s28, $0x1;
	[dreg:$0x2] =	wrdreg s3  }
0xa9: {  	[dreg:$0x3] =	wrdreg s5  }
0xaa: {  	[dreg:$0x4] =	wrdreg $0xC0  }
0xab: {  	_ =	task [dreg:s7], $0x5FFFF  }
0xac: {  	[dreg:$0x1] =	wrdreg $0xFFFFFFFF  }
0xad: {  	[dreg:$0x0] =	wrdreg $0x60  }
0xae: {  	[dreg:$0x2] =	wrdreg s2  }
0xaf: {  	[dreg:$0x3] =	wrdreg s24  }
0xb0: {  	[dreg:$0x4] =	wrdreg $0xA0000  }
0xb1: {  	[dreg:$0x5] =	wrdreg $0x9  }
0xb2: {  	_ =	task.clear_ibuf [dreg:s7], $0x6FFFF;
	_ =	strace $0x90000049  }
0xb3: {  	s29 =	simm.s32 $0x9;
	_ =	strace $0x8000004B  }
0xb4: {  	_ =	swait.ge [sflag:s29], $0x1  }
0xb5: {  	[sflag:s29] =	ssyncadd.s32 $0xFFFFFFFF  }
0xb6: {  	_ =	strace $0x9000004B  }
0xb7: {  	_ =	sfence  }
0xb8: {  	s30 =	sld [smem:$0x0];
	_ =	sdelay $0x2  }
0xb9: {  	s31 =	sshll.u32 s1, $0xD;
	s1 =	sshrl.u32 s1, $0x2  }
0xba: {  	s3 =	sand.u32 $0x4000, s31;
	s1 =	sadd.s32 s1, s30  }
0xbb: {  	s0 =	sor.u32 s3, s0;
	s1 =	sshll.u32 s1, $0x11  }
0xbc: {  	s0 =	sor.u32 s1, s0  }
0xbd: {  	s0 =	sadd.s32 $0x8F2B, s0  }
0xbe: {  	[sflag:s0] =	ssyncadd.remote.s32 $0x1  }
0xbf: {  	_ =	sfence.sel $0xFFFF  }
0xc0: {  	[dreg:$0x0] =	wrdreg $0xFFFFFFFF;
	(pc) =	sbr.abs _section_cstart, $3  }
0xc1: {  	[dreg:$0x1] =	wrdreg $0xFFFFFFFF  }
0xc2: {  	_ =	task.clear_ibuf [dreg:s7], $0x2FFFF;
	_ =	strace $0x9FFFFFFF  }
0xc3: {  	(tm) =	ssettm $0x7FFFFFFF  }
tec
execute0_lowered:
.L_overlay_start_1:
0x0: {  	(tag) =	ssettag $0x1  }
0x1: {  	s1 =	srdreg.scid  }
0x2: {  	s1 =	sand.u32 $0x1, s1  }
0x3: {  	p0 =	seq.s32 s1, $0x1  }
.Ltmp0:
0x4: {  	s3 =	rddreg [dreg:$0x0];
	(pc) =	sbr.rel @p0 .LBB2_4-.Ltmp0, $4  }
0x5: {  	s9 =	rddreg [dreg:$0x1]  }
0x6: {  	s2 =	rddreg [dreg:$0x2];
	s11 =	simm.s32 $0x0  }
0x7: {  	[smem:$0x7FF] =	sst s11  }
0x8: {  	s0 =	rddreg [dreg:$0x3];
	_ =	strace $0x8000004A;
	s1 =	stileid.u32  }
0x9: {  	s10 =	smul.u32 $0xA00, s1  }
0xa: {  	s8 =	sadd.s32 $0x1A00, s9  }
0xb: {  	s6 =	simm.s32 $0x4;
	s4 =	sadd.s32 s8, s10  }
0xc: {  	[tilespmem:s11], [sflag:$0x4] =	stream.linear.gather [hbm4b:s4+s11], $0x800, $0x38;
	[tilespmem:$0x1E000] =	vst v63  }
0xd: {  	s7 =	sadd.s32 $0xBA00, s9;
	s18 =	smul.u32 $0x50000, s1;
	_ =	swait.ge [sflag:s6], $0x800  }
0xe: {  	s12 =	simm.s32 $0x1000;
	s19 =	sadd.s32 $0x15A00, s9;
	[sflag:s6] =	ssyncset.done $0x0  }
0xf: {  	s21 =	sshll.u32 s1, $0x6;
	s5 =	sadd.s32 s7, s10;
	[sflag:s6] =	ssyncadd.s32 $0xFFFFF800  }
0x10: {  	[tilespmem:s12], [sflag:$0x4] =	stream.linear.gather [hbm4b:s5+s11], $0x800, $0x38;
	[tilespmem:$0x1E000] =	vst v63  }
0x11: {  	s22 =	simm.s32 $0x2000;
	s4 =	sshrl.u32 s18, $0x2;
	_ =	swait.ge [sflag:s6], $0x800  }
0x12: {  	s23 =	simm.s32 $0x1;
	s20 =	sadd.s32 s4, s2;
	[sflag:s6] =	ssyncset.done $0x0  }
0x13: {  	s4 =	sor.u32 $0x1C04, s21;
	s5 =	sshrl.u32 s20, $0x3;
	[sflag:s6] =	ssyncadd.s32 $0xFFFFF800  }
0x14: {  	[spmem:s5], [sflag:s4] =	dma.local [hbm:s19], $0x2800  }
0x15: {  	s14 =	smul.u32 $0x2800, s1;
	s13 =	sand.u32 $0xF, s23;
	_ =	swait.ge [sflag:s6], $0x2800  }
0x16: {  	s17 =	sor.u32 $0x10, s10;
	p0 =	sne.s32 s13, $0x0;
	[sflag:s6] =	ssyncset.done $0x0  }
0x17: {  	s10 =	simm.s32 @!p0 $0x80;
	s13 =	sand.u32 @!p0 $0x3FF80, s17;
	[sflag:s6] =	ssyncadd.s32 $0xFFFFD800  }
0x18: {  	s15 =	simm.s32 @!p0 $0x0;
	s6 =	simm.s32 $0x80;
	[bflag:$0x0] =	sbarrier.arrive $0xFFFF  }
0x19: {  	[tilespmem:s22], [sflag:$0x1] =	stream.indirect.gather [hbm4b:s3+s6], $0x80, s11, s6, $0xb8;
	[tilespmem:$0x1E000] =	vst v63  }
0x1a: {  	s18 =	simm.s32 @!p0 $0x4;
	s16 =	sand.u32 @!p0 $0x800, s10;
	s10 =	sadd.s32 @!p0 s8, s13  }
0x1b: {  	[tilespmem:s16], [sflag:$0x4] =	stream.linear.gather @!p0 [hbm4b:s10+s15], $0x800, $0x38;
	[tilespmem:$0x1E000] =	vst v63  }
0x1c: {  	s26 =	simm.s32 $0x0;
	s24 =	sadd.s32 s14, s9;
	_ =	swait.ge @!p0 [sflag:s18], $0x800  }
0x1d: {  	s13 =	sadd.s32 @!p0 s7, s13;
	s12 =	sand.u32 $0x1, s23;
	[sflag:s18] =	ssyncset.done @!p0 $0x0  }
0x1e: {  	s14 =	sor.u32 @!p0 $0x1000, s16;
	s28 =	sshll.u32 s12, $0xE;
	[sflag:s18] =	ssyncadd.s32 @!p0 $0xFFFFF800  }
0x1f: {  	[tilespmem:s14], [sflag:$0x4] =	stream.linear.gather @!p0 [hbm4b:s13+s15], $0x800, $0x38;
	[tilespmem:$0x1E000] =	vst v63  }
0x20: {  	s12 =	sadd.s32 $0x1, s12;
	s10 =	simm.s32 $0x80;
	_ =	swait.ge @!p0 [sflag:s18], $0x800  }
0x21: {  	s25 =	sand.u32 $0xF80, s10;
	s13 =	sand.u32 $0x1, s26;
	[sflag:s18] =	ssyncset.done @!p0 $0x0  }
0x22: {  	s14 =	sor.u32 $0x2000, s28;
	s29 =	sadd.s32 $0x1, s13;
	[sflag:s18] =	ssyncadd.s32 @!p0 $0xFFFFF800  }
0x23: {  	[tilespmem:s14], [sflag:s12] =	stream.indirect.gather [hbm4b:s3+s6], $0x80, s25, s6, $0xb8;
	[tilespmem:$0x1E000] =	vst v63  }
0x24: {  	s31 =	sand.u32 $0xF80, s11;
	s9 =	sadd.s32 $0x18200, s24;
	_ =	swait.ge [sflag:s29], $0x4000  }
0x25: {  	s11 =	sor.u32 $0x1000, s31;
	s30 =	sshll.u32 s13, $0xE;
	[sflag:s29] =	ssyncset.done $0x0  }
0x26: {  	s15 =	simm.s32 $0x100;
	s13 =	sor.u32 $0x2000, s30;
	[sflag:s29] =	ssyncadd.s32 $0xFFFFC000  }
0x27: {  	[spmem:s2] =	stream.indirect.scatter.add.f32 [tilespmem:s13], [sflag:$0x3], $0x80, s11, s6, $0xb8;
	[tilespmem:$0x1E000] =	vst v63  }
0x28: {  	s12 =	simm.s32 $0x2;
	s14 =	sadd.s32 $0x10, s17;
	s11 =	simm.s32 $0x3  }
0x29: {  	s16 =	sand.u32 $0xF, s12;
	s13 =	simm.s32 $0x100;
	_ =	swait.ge [sflag:s11], $0x4000  }
.LBB2_2:
0x2a: {  	p1 =	sne.s32 s16, $0x0  }
0x2b: {  	[sflag:s11] =	ssyncset.done $0x0;
	s16 =	smov.u32 s15;
	s15 =	sadd.s32 $0x80, s15  }
0x2c: {  	s17 =	sadd.s32 @!p1 $0x80, s10;
	s18 =	sand.u32 @!p1 $0x3FF80, s14;
	s19 =	simm.s32 @!p1 $0x0  }
0x2d: {  	s21 =	simm.s32 @!p1 $0x4;
	s17 =	sand.u32 @!p1 $0x800, s17;
	s20 =	sadd.s32 @!p1 s8, s18  }
0x2e: {  	s18 =	sadd.s32 @!p1 s7, s18;
	s22 =	sor.u32 @!p1 $0x1000, s17;
	[sflag:s11] =	ssyncadd.s32 $0xFFFFC000  }
0x2f: {  	[tilespmem:s17], [sflag:$0x4] =	stream.linear.gather @!p1 [hbm4b:s20+s19], $0x800, $0x38;
	[tilespmem:$0x1E000] =	vst v63  }
0x30: {  	p0 =	sne.s32 s15, $0x4F80;
	_ =	swait.ge @!p1 [sflag:s21], $0x800  }
0x31: {  	s17 =	sand.u32 $0xF80, s13;
	s13 =	smov.u32 s15;
	[sflag:s21] =	ssyncset.done @!p1 $0x0  }
0x32: {  	s23 =	sand.u32 $0x1, s12;
	s20 =	sadd.s32 $0xFFFFFFFF, s12;
	[sflag:s21] =	ssyncadd.s32 @!p1 $0xFFFFF800  }
0x33: {  	[tilespmem:s22], [sflag:$0x4] =	stream.linear.gather @!p1 [hbm4b:s18+s19], $0x800, $0x38;
	[tilespmem:$0x1E000] =	vst v63  }
0x34: {  	s18 =	sshll.u32 s23, $0xE;
	s19 =	sadd.s32 $0x1, s23;
	_ =	swait.ge @!p1 [sflag:s21], $0x800  }
0x35: {  	s20 =	sand.u32 $0x1, s20;
	s18 =	sor.u32 $0x2000, s18;
	[sflag:s21] =	ssyncset.done @!p1 $0x0  }
0x36: {  	[sflag:s21] =	ssyncadd.s32 @!p1 $0xFFFFF800;
	s21 =	sshll.u32 s20, $0xE;
	s20 =	sadd.s32 $0x1, s20  }
0x37: {  	[tilespmem:s18], [sflag:s19] =	stream.indirect.gather [hbm4b:s3+s6], $0x80, s17, s6, $0xb8;
	[tilespmem:$0x1E000] =	vst v63  }
.Ltmp1:
0x38: {  	s10 =	sand.u32 $0xF80, s10;
	_ =	swait.ge [sflag:s20], $0x4000;
	(pc) =	sbr.rel @p0 .LBB2_2-.Ltmp1, $4  }
0x39: {  	s17 =	sor.u32 $0x2000, s21;
	s18 =	sor.u32 $0x1000, s10;
	[sflag:s20] =	ssyncset.done $0x0  }
0x3a: {  	s12 =	sadd.s32 $0x1, s12;
	s10 =	smov.u32 s16;
	[sflag:s20] =	ssyncadd.s32 $0xFFFFC000  }
0x3b: {  	[spmem:s2] =	stream.indirect.scatter.add.f32 [tilespmem:s17], [sflag:$0x3], $0x80, s18, s6, $0xb8;
	[tilespmem:$0x1E000] =	vst v63  }
0x3c: {  	s14 =	sadd.s32 $0x10, s14;
	s16 =	sand.u32 $0xF, s12;
	_ =	swait.ge [sflag:s11], $0x4000  }
0x3d: {  	p0 =	sne.s32 s16, $0x0  }
0x3e: {  	[sflag:s11] =	ssyncset.done $0x0;
	s15 =	sadd.s32 @!p0 $0x80, s10  }
0x3f: {  	s14 =	sand.u32 @!p0 $0x3FF80, s14;
	s16 =	simm.s32 @!p0 $0x0;
	s17 =	simm.s32 @!p0 $0x4  }
0x40: {  	[sflag:s11] =	ssyncadd.s32 $0xFFFFC000;
	s15 =	sand.u32 @!p0 $0x800, s15;
	s8 =	sadd.s32 @!p0 s8, s14  }
0x41: {  	[tilespmem:s15], [sflag:$0x4] =	stream.linear.gather @!p0 [hbm4b:s8+s16], $0x800, $0x38;
	[tilespmem:$0x1E000] =	vst v63  }
0x42: {  	_ =	swait.ge @!p0 [sflag:s17], $0x800  }
0x43: {  	s13 =	sand.u32 $0xF80, s13;
	s18 =	sand.u32 $0x1, s12;
	[sflag:s17] =	ssyncset.done @!p0 $0x0  }
0x44: {  	s7 =	sadd.s32 @!p0 s7, s14;
	s8 =	sor.u32 @!p0 $0x1000, s15;
	[sflag:s17] =	ssyncadd.s32 @!p0 $0xFFFFF800  }
0x45: {  	[tilespmem:s8], [sflag:$0x4] =	stream.linear.gather @!p0 [hbm4b:s7+s16], $0x800, $0x38;
	[tilespmem:$0x1E000] =	vst v63  }
0x46: {  	s19 =	sadd.s32 $0xFFFFFFFF, s12;
	s20 =	sshll.u32 s18, $0xE;
	_ =	swait.ge @!p0 [sflag:s17], $0x800  }
0x47: {  	s21 =	sadd.s32 $0x1, s18;
	s7 =	sand.u32 $0x1, s19;
	[sflag:s17] =	ssyncset.done @!p0 $0x0  }
0x48: {  	s8 =	sor.u32 $0x2000, s20;
	s22 =	sadd.s32 $0x1, s7;
	[sflag:s17] =	ssyncadd.s32 @!p0 $0xFFFFF800  }
0x49: {  	[tilespmem:s8], [sflag:s21] =	stream.indirect.gather [hbm4b:s3+s6], $0x80, s13, s6, $0xb8;
	[tilespmem:$0x1E000] =	vst v63  }
0x4a: {  	_ =	swait.ge [sflag:s22], $0x4000  }
0x4b: {  	s24 =	sand.u32 $0xF80, s10;
	s23 =	sshll.u32 s7, $0xE;
	[sflag:s22] =	ssyncset.done $0x0  }
0x4c: {  	s7 =	sor.u32 $0x1000, s24;
	s3 =	sor.u32 $0x2000, s23;
	[sflag:s22] =	ssyncadd.s32 $0xFFFFC000  }
0x4d: {  	[spmem:s2] =	stream.indirect.scatter.add.f32 [tilespmem:s3], [sflag:$0x3], $0x80, s7, s6, $0xb8;
	[tilespmem:$0x1E000] =	vst v63  }
0x4e: {  	_ =	swait.ge [sflag:s11], $0x4000  }
0x4f: {  	[sflag:s11] =	ssyncset.done $0x0  }
0x50: {  	s25 =	simm.s32 $0x2;
	[sflag:s11] =	ssyncadd.s32 $0xFFFFC000  }
0x51: {  	_ =	swait.ge [sflag:s25], $0x4000  }
0x52: {  	s26 =	simm.s32 $0x80;
	s28 =	simm.s32 $0x1F80;
	[sflag:s25] =	ssyncset.done $0x0  }
0x53: {  	s29 =	simm.s32 $0x6000;
	s30 =	simm.s32 $0x3;
	[sflag:s25] =	ssyncadd.s32 $0xFFFFC000  }
0x54: {  	[spmem:s2] =	stream.indirect.scatter.add.f32 [tilespmem:s29], [sflag:$0x3], $0x80, s28, s26, $0xb8;
	[tilespmem:$0x1E000] =	vst v63  }
0x55: {  	_ =	swait.ge [sflag:s30], $0x4000  }
0x56: {  	[sflag:s30] =	ssyncset.done $0x0  }
0x57: {  	[sflag:s30] =	ssyncadd.s32 $0xFFFFC000  }
0x58: {  	s31 =	simm.s32 $0x4;
	[bflag:$0x0] =	sbarrier.arrive $0xFFFF  }
0x59: {  	[hbm:s9], [sflag:s4] =	dma.local [spmem:s5], $0x2800  }
0x5a: {  	_ =	swait.ge [sflag:s31], $0x2800  }
0x5b: {  	[sflag:s31] =	ssyncset.done $0x0  }
0x5c: {  	[sflag:s31] =	ssyncadd.s32 $0xFFFFD800  }
.LBB2_4:
0x5d: {  	_ =	sfence.sel $0x180000  }
0x5e: {  	[bflag:$0x0] =	sbarrier.arrive $0xFFFF  }
0x5f: {  	p0 =	sne.s32 s1, $0x0;
	_ =	strace $0x9000004A  }
0x60: {  	s0 =	sadd.s32 @!p0 $0x100000, s0;
	[bflag:$0x2] =	sbarrier.arrive $0xFFFF  }
0x61: {  	[sflag:s0] =	ssyncadd.tile.s32 @!p0 $0x1;
	_ =	shalt  }
.Lfunc_end2:
_tile_overlayer_lowered:
.L_overlay_start_2:
0x62: {  	(tag) =	ssettag $0x2  }
0x63: {  	s0 =	rddreg [dreg:$0x0];
	s2 =	stileid.u32  }
0x64: {  	s1 =	rddreg [dreg:$0x1];
	p0 =	sne.s32 s2, $0x0  }
0x65: {  	s3 =	rddreg [dreg:$0x2];
	[bflag:$0x3] =	sbarrier.arrive $0xFFFF;
	s2 =	simm.s32 @!p0 $0x1C04  }
0x66: {  	[timem:s3], [sflag:s2] =	dma.local @!p0 [hbm:s0], s1  }
0x67: {  	s0 =	simm.s32 @!p0 $0x4  }
0x68: {  	_ =	swait.ge @!p0 [sflag:s0], s1  }
0x69: {  	s1 =	ssub.s32 @!p0 $0x0, s1;
	[sflag:s0] =	ssyncset.done @!p0 $0x0  }
0x6a: {  	[sflag:s0] =	ssyncadd.s32 @!p0 s1  }
0x6b: {  	[bflag:$0x3] =	sbarrier.arrive $0xFFFF  }
0x6c: {  	_ =	shalt  }

</sc_bundles>
